<compile_context>
chip_gen: v7x
topology: tpu7x:2x2x1
jax: 0.10.2.dev20260603
libtpu: 0.0.44.dev20260713+nightly
codegen_flags: <defaults>
</compile_context>

<pallas_src>
import functools

import jax
import jax.numpy as jnp
from jax import lax
from jax.experimental import pallas as pl
from jax.experimental.pallas import tpu as pltpu
from jax.experimental.pallas import tpu_sc as plsc

B, N, C, H, W = 4, 6, 64, 64, 176
NH = N * H
NX, NY, NZ = 200, 200, 4
V = NX * NY * NZ
VROW = NY * NZ
VPAD = 1024
VP = NX * VPAD

NC, NS = 2, 16
NW = NC * NS
PAIRS = B * C
PPT = PAIRS // NW

NXB = 13
CHUNK = 2560
NCHUNK = VP // CHUNK


def _fr_kernel(feat_hbm, cam_hbm, u_hbm, v_hbm, out_hbm,
               sidx, table, idxb0, idxb1, outb0, outb1,
               camb, ub, vb, camb2, ub2, vb2, packedb, physb,
               sem_t, sem_i0, sem_i1, sem_o0, sem_o1):
    idxb = (idxb0, idxb1)
    outb = (outb0, outb1)
    sem_i = (sem_i0, sem_i1)
    sem_o = (sem_o0, sem_o1)
    cid = lax.axis_index("c")
    sid = lax.axis_index("s")
    wid = sid * NC + cid

    stage = ((camb, ub, vb), (camb2, ub2, vb2))
    p1sem = (sem_i0, sem_i1)

    def p1_issue(k, j):
        voff = (sid + k * NS) * VROW
        cb, ub_, vb_ = stage[j]
        pltpu.async_copy(cam_hbm.at[pl.ds(voff, VROW)], cb, p1sem[j])
        pltpu.async_copy(v_hbm.at[pl.ds(voff, VROW)], vb_, p1sem[j])
        pltpu.async_copy(u_hbm.at[pl.ds(voff, VROW)], ub_, p1sem[j])

    def p1_compute(k, j):
        nx = sid + k * NS
        cb, ub_, vb_ = stage[j]
        voff = nx * VROW
        pltpu.make_async_copy(cam_hbm.at[pl.ds(voff, VROW)], cb,
                              p1sem[j]).wait()
        pltpu.make_async_copy(v_hbm.at[pl.ds(voff, VROW)], vb_,
                              p1sem[j]).wait()
        pltpu.make_async_copy(u_hbm.at[pl.ds(voff, VROW)], ub_,
                              p1sem[j]).wait()

        @plsc.parallel_loop(0, VROW, 16, unroll=8)
        def _(i):
            packedb[pl.ds(i, 16)] = (cb[pl.ds(i, 16)] * (H * 256)
                                     + vb_[pl.ds(i, 16)] * 256
                                     + ub_[pl.ds(i, 16)])

        @plsc.parallel_loop(0, VPAD, 16, unroll=8)
        def _(i):
            iv = lax.iota(jnp.int32, 16) + i
            tc = lax.shift_right_logical(iv, 9)
            nz = lax.bitwise_and(lax.shift_right_logical(iv, 7), 3)
            ny = lax.shift_left(tc, 7) + lax.bitwise_and(iv, 127)
            vloc = lax.shift_left(ny, 2) + nz
            pv = jnp.where(ny < NY, vloc, 0)
            physb[pl.ds(i, 16)] = plsc.load_gather(packedb, [pv])

        pltpu.sync_copy(physb, sidx.at[pl.ds(nx * VPAD, VPAD)])

    def p1_pair(q, carry):
        for j in range(2):
            k = q * 2 + j

            @pl.when(sid + k * NS < NX)
            def _():
                @pl.when(sid + (k + 1) * NS < NX)
                def _():
                    p1_issue(k + 1, 1 - j)

                p1_compute(k, j)
        return carry

    def load_table(pg):
        b = pg // C
        ch = pg % C
        return [
            pltpu.async_copy(feat_hbm.at[b, n, ch],
                             table.at[pl.ds(n * H, H), :], sem_t)
            for n in range(N)
        ]

    load_table(wid * PPT)

    @pl.when(sid < NX)
    def _():
        p1_issue(0, 0)

    lax.fori_loop(0, (NXB + 1) // 2, p1_pair, 0)
    plsc.subcore_barrier()

    def do_pair(p, carry):
        pg = wid * PPT + p
        out_base = pg * VP

        @pl.when(p > 0)
        def _():
            load_table(pg)

        for n in range(N):
            pltpu.make_async_copy(feat_hbm.at[0, n, 0],
                                  table.at[pl.ds(n * H, H), :], sem_t).wait()

        pltpu.async_copy(sidx.at[pl.ds(0, CHUNK)], idxb[0], sem_i[0])
        pltpu.async_copy(sidx.at[pl.ds(CHUNK, CHUNK)], idxb[1], sem_i[1])

        def chunk2(t2, carry):
            for j in range(2):
                t = t2 + j
                pltpu.make_async_copy(sidx.at[pl.ds(t * CHUNK, CHUNK)],
                                      idxb[j], sem_i[j]).wait()

                @pl.when(t >= 2)
                def _():
                    pltpu.make_async_copy(
                        outb[j],
                        out_hbm.at[pl.ds(out_base + (t - 2) * CHUNK, CHUNK)],
                        sem_o[j]).wait()

                @plsc.parallel_loop(0, CHUNK, 16, unroll=8)
                def _(i):
                    packed = idxb[j][pl.ds(i, 16)]
                    row = lax.shift_right_logical(packed, 8)
                    col = lax.bitwise_and(packed, 255)
                    outb[j][pl.ds(i, 16)] = plsc.load_gather(table, [row, col])

                pltpu.async_copy(outb[j],
                                 out_hbm.at[pl.ds(out_base + t * CHUNK, CHUNK)],
                                 sem_o[j])

                @pl.when(t + 2 < NCHUNK)
                def _():
                    pltpu.async_copy(sidx.at[pl.ds((t + 2) * CHUNK, CHUNK)],
                                     idxb[j], sem_i[j])
            return carry

        lax.fori_loop(0, NCHUNK // 2, lambda q, c2: chunk2(q * 2, c2), 0)

        for j in range(2):
            t = NCHUNK - 2 + j
            pltpu.make_async_copy(outb[j],
                                  out_hbm.at[pl.ds(out_base + t * CHUNK, CHUNK)],
                                  sem_o[j]).wait()
        return carry

    lax.fori_loop(0, PPT, do_pair, 0)


def kernel(features, cam_idx, u_idx, v_idx):
    mesh = plsc.VectorSubcoreMesh(core_axis_name="c", subcore_axis_name="s",
                                  num_cores=NC, num_subcores=NS)

    fr = functools.partial(
        pl.kernel,
        out_type=jax.ShapeDtypeStruct((B * C * VP,), jnp.float32),
        mesh=mesh,
        compiler_params=pltpu.CompilerParams(needs_layout_passes=False),
        scratch_types=[
            pltpu.VMEM_SHARED((VP,), jnp.int32),
            pltpu.VMEM((NH, W), jnp.float32),
            pltpu.VMEM((CHUNK,), jnp.int32),
            pltpu.VMEM((CHUNK,), jnp.int32),
            pltpu.VMEM((CHUNK,), jnp.float32),
            pltpu.VMEM((CHUNK,), jnp.float32),
            pltpu.VMEM((VROW,), jnp.int32),
            pltpu.VMEM((VROW,), jnp.int32),
            pltpu.VMEM((VROW,), jnp.int32),
            pltpu.VMEM((VROW,), jnp.int32),
            pltpu.VMEM((VROW,), jnp.int32),
            pltpu.VMEM((VROW,), jnp.int32),
            pltpu.VMEM((VROW,), jnp.int32),
            pltpu.VMEM((VPAD,), jnp.int32),
            pltpu.SemaphoreType.DMA,
            pltpu.SemaphoreType.DMA,
            pltpu.SemaphoreType.DMA,
            pltpu.SemaphoreType.DMA,
            pltpu.SemaphoreType.DMA,
        ],
    )(_fr_kernel)

    out = fr(features, cam_idx, u_idx, v_idx)
    x = out.reshape(B, C, NX, 2, NZ, 128)
    x = jnp.transpose(x, (0, 1, 2, 3, 5, 4))
    x = x.reshape(B, C, NX, 256, NZ)
    return x[:, :, :, :NY, :]

# --- scband reference (transcript-rebuilt; emitter-appended) ---
"""Pipeline reference for scband-fast-ray-transformation-18133351923980 (READ-ONLY COPY).

The authoritative reference and input builder live on the scoring server;
editing this copy changes nothing except your own understanding.
"""

import jax, jax.numpy as jnp
import numpy as np

B, N, C, H, W = 4, 6, 64, 64, 176
NX, NY, NZ = 200, 200, 4
V = NX * NY * NZ


def setup_inputs(seed: int = 0) -> dict:
    key = jax.random.key(seed)
    k1, k2, k3, k4 = jax.random.split(key, 4)
    features = jax.random.normal(k1, (B, N, C, H, W), dtype=jnp.float32)
    # LUT columns (precomputed by compute_lut in the original; constants at inference).
    cam_idx = jax.random.randint(k2, (V,), 0, N, dtype=jnp.int32)
    u_idx = jax.random.randint(k3, (V,), 0, W, dtype=jnp.int32)
    v_idx = jax.random.randint(k4, (V,), 0, H, dtype=jnp.int32)
    return {"features": features, "cam_idx": cam_idx, "u_idx": u_idx, "v_idx": v_idx}


def reference(features, cam_idx, u_idx, v_idx):
    # Faithful translation of FastRayTransformation.forward for a single scale.
    # LUT lookup: voxel -> (cam, v, u) -> flattened source index into (N*H*W).
    b, n, c, h, w = features.shape
    flat_indices = cam_idx * (h * w) + v_idx * w + u_idx
    # (B, N, C, H, W) -> (B, N*H*W, C)
    feat_flat = jnp.transpose(features, (0, 1, 3, 4, 2)).reshape(b, n * h * w, c)
    # Vectorized table lookup (gather) over all voxels.
    selected = jnp.take(feat_flat, flat_indices, axis=1)
    # Voxels with cam == -1 are invalid and stay zero (scatter-overwrite semantics).
    valid_mask = cam_idx >= 0
    out_voxels = jnp.where(valid_mask[None, :, None], selected, 0.0)
    # (B, V, C) -> (B, C, NX, NY, NZ)
    out_voxels = out_voxels.reshape(b, NX, NY, NZ, c)
    out_voxels = jnp.transpose(out_voxels, (0, 4, 1, 2, 3))
    return out_voxels

if __name__ == "__main__":
    import jax
    _d = setup_inputs()
    print(jax.jit(kernel)(*tuple(_d.values())))

</pallas_src>

<mosaic_0001>
#map = affine_map<(d0, d1) -> (0, 0, 0, 0, 0)>
#map1 = affine_map<(d0, d1) -> (0)>
module attributes {stable_mosaic.version = 14 : i64} {
  func.func @_fr_kernel(%arg0: i32, %arg1: i32, %arg2: memref<4x6x64x64x176xf32, #tpu.memory_space<hbm>>, %arg3: memref<160000xi32, #tpu.memory_space<hbm>>, %arg4: memref<160000xi32, #tpu.memory_space<hbm>>, %arg5: memref<160000xi32, #tpu.memory_space<hbm>>, %arg6: memref<52428800xf32, #tpu.memory_space<hbm>>, %arg7: memref<204800xi32, #tpu.memory_space<vmem_shared>>, %arg8: memref<384x176xf32, #tpu.memory_space<vmem>>, %arg9: memref<2560xi32, #tpu.memory_space<vmem>>, %arg10: memref<2560xi32, #tpu.memory_space<vmem>>, %arg11: memref<2560xf32, #tpu.memory_space<vmem>>, %arg12: memref<2560xf32, #tpu.memory_space<vmem>>, %arg13: memref<800xi32, #tpu.memory_space<vmem>>, %arg14: memref<800xi32, #tpu.memory_space<vmem>>, %arg15: memref<800xi32, #tpu.memory_space<vmem>>, %arg16: memref<800xi32, #tpu.memory_space<vmem>>, %arg17: memref<800xi32, #tpu.memory_space<vmem>>, %arg18: memref<800xi32, #tpu.memory_space<vmem>>, %arg19: memref<800xi32, #tpu.memory_space<vmem>>, %arg20: memref<1024xi32, #tpu.memory_space<vmem>>, %arg21: memref<!tpu.dma_semaphore, #tpu.memory_space<semaphore_mem>>, %arg22: memref<!tpu.dma_semaphore, #tpu.memory_space<semaphore_mem>>, %arg23: memref<!tpu.dma_semaphore, #tpu.memory_space<semaphore_mem>>, %arg24: memref<!tpu.dma_semaphore, #tpu.memory_space<semaphore_mem>>, %arg25: memref<!tpu.dma_semaphore, #tpu.memory_space<semaphore_mem>>) attributes {dimension_semantics = [#tpu.dimension_semantics<core_parallel>, #tpu.dimension_semantics<subcore_parallel>], iteration_bounds = array<i64: 2, 16>, scalar_prefetch = 0 : i64, scratch_operands = 19 : i64, tpu.core_type = #tpu.core_type<sc_vector_subcore>, window_params = [{transform_indices = #map}, {transform_indices = #map1}, {transform_indices = #map1}, {transform_indices = #map1}, {transform_indices = #map1}]} {
    %mul3A = arith.constant 2 : i32
    %mul3A_0 = arith.muli %arg1, %mul3A : i32
    %add3A = arith.addi %mul3A_0, %arg0 : i32
    %mul3A_1 = arith.constant 8 : i32
    %mul3A_2 = arith.muli %add3A, %mul3A_1 : i32
    %jit3A = arith.constant 64 : i32
    %div3A = arith.divsi %mul3A_2, %jit3A : i32
    %sign3A = arith.constant 0 : i32
    %sign3A_3 = arith.cmpi sgt, %mul3A_2, %sign3A : i32
    %sign3A_4 = arith.extui %sign3A_3 : i1 to i32
    %sign3A_5 = arith.constant 0 : i32
    %sign3A_6 = arith.cmpi slt, %mul3A_2, %sign3A_5 : i32
    %sign3A_7 = arith.extui %sign3A_6 : i1 to i32
    %sign3A_8 = arith.subi %sign3A_4, %sign3A_7 : i32
    %sign3A_9 = arith.constant 0 : i32
    %sign3A_10 = arith.cmpi sgt, %jit3A, %sign3A_9 : i32
    %sign3A_11 = arith.extui %sign3A_10 : i1 to i32
    %sign3A_12 = arith.constant 0 : i32
    %sign3A_13 = arith.cmpi slt, %jit3A, %sign3A_12 : i32
    %sign3A_14 = arith.extui %sign3A_13 : i1 to i32
    %sign3A_15 = arith.subi %sign3A_11, %sign3A_14 : i32
    %ne3A = arith.cmpi ne, %sign3A_8, %sign3A_15 : i32
    %rem3A = arith.remsi %mul3A_2, %jit3A : i32
    %ne3A_16 = arith.constant 0 : i32
    %ne3A_17 = arith.cmpi ne, %rem3A, %ne3A_16 : i32
    %and3A = arith.andi %ne3A, %ne3A_17 : i1
    %sub3A = arith.constant 1 : i32
    %sub3A_18 = arith.subi %div3A, %sub3A : i32
    %select_n3A = arith.select %and3A, %sub3A_18, %div3A : i32
    %jit3A_19 = arith.constant 64 : i32
    %eq3A = arith.constant 0 : i32
    %eq3A_20 = arith.cmpi eq, %jit3A_19, %eq3A : i32
    %jit3A_21 = arith.constant 1 : i32
    %select_n3A_22 = arith.select %eq3A_20, %jit3A_21, %jit3A_19 : i32
    %rem3A_23 = arith.remsi %mul3A_2, %select_n3A_22 : i32
    %ne3A_24 = arith.constant 0 : i32
    %ne3A_25 = arith.cmpi ne, %rem3A_23, %ne3A_24 : i32
    %lt3A = arith.constant 0 : i32
    %lt3A_26 = arith.cmpi slt, %rem3A_23, %lt3A : i32
    %lt3A_27 = arith.constant 0 : i32
    %lt3A_28 = arith.cmpi slt, %select_n3A_22, %lt3A_27 : i32
    %ne3A_29 = arith.xori %lt3A_26, %lt3A_28 : i1
    %and3A_30 = arith.andi %ne3A_29, %ne3A_25 : i1
    %add3A_31 = arith.addi %rem3A_23, %select_n3A_22 : i32
    %select_n3A_32 = arith.select %and3A_30, %add3A_31, %rem3A_23 : i32
    %dma_start3A = arith.constant 0 : i32
    %dma_start3A_33 = arith.constant 0 : i32
    %dma_start3A_34 = arith.constant 0 : i32
    %dma_start3A_35 = tpu.memref_slice %arg8[%dma_start3A_33, %dma_start3A_34] : memref<384x176xf32, #tpu.memory_space<vmem>> -> memref<64x176xf32, #tpu.memory_space<vmem>>
    %dma_start3A_36 = arith.constant 0 : i32
    %dma_start3A_37 = arith.constant 0 : i32
    %dma_start3A_38 = tpu.memref_slice %arg2[%select_n3A, %dma_start3A, %select_n3A_32, %dma_start3A_36, %dma_start3A_37] : memref<4x6x64x64x176xf32, #tpu.memory_space<hbm>> -> memref<1x1x1x64x176xf32, #tpu.memory_space<hbm>>
    %dma_start3A_39 = tpu.memref_squeeze %dma_start3A_38 : memref<1x1x1x64x176xf32, #tpu.memory_space<hbm>> -> memref<64x176xf32, #tpu.memory_space<hbm>>
    %dma_start3A_40 = arith.constant 0 : i32
    %dma_start3A_41 = arith.constant 0 : i32
    %dma_start3A_42 = tpu.memref_slice %arg8[%dma_start3A_40, %dma_start3A_41] : memref<384x176xf32, #tpu.memory_space<vmem>> -> memref<64x176xf32, #tpu.memory_space<vmem>>
    %dma_start3A_43 = arith.constant 0 : i32
    %dma_start3A_44 = arith.constant 0 : i32
    %dma_start3A_45 = tpu.memref_slice %arg2[%select_n3A, %dma_start3A, %select_n3A_32, %dma_start3A_43, %dma_start3A_44] : memref<4x6x64x64x176xf32, #tpu.memory_space<hbm>> -> memref<1x1x1x64x176xf32, #tpu.memory_space<hbm>>
    %dma_start3A_46 = tpu.memref_squeeze %dma_start3A_45 : memref<1x1x1x64x176xf32, #tpu.memory_space<hbm>> -> memref<64x176xf32, #tpu.memory_space<hbm>>
    tpu.enqueue_dma source(%dma_start3A_46 : memref<64x176xf32, #tpu.memory_space<hbm>>) target(%dma_start3A_42 : memref<64x176xf32, #tpu.memory_space<vmem>>) target_semaphore(%arg21 : memref<!tpu.dma_semaphore, #tpu.memory_space<semaphore_mem>>)
    %dma_start3A_47 = arith.constant 1 : i32
    %dma_start3A_48 = arith.constant 64 : i32
    %dma_start3A_49 = arith.constant 0 : i32
    %dma_start3A_50 = tpu.memref_slice %arg8[%dma_start3A_48, %dma_start3A_49] : memref<384x176xf32, #tpu.memory_space<vmem>> -> memref<64x176xf32, #tpu.memory_space<vmem>>
    %dma_start3A_51 = arith.constant 0 : i32
    %dma_start3A_52 = arith.constant 0 : i32
    %dma_start3A_53 = tpu.memref_slice %arg2[%select_n3A, %dma_start3A_47, %select_n3A_32, %dma_start3A_51, %dma_start3A_52] : memref<4x6x64x64x176xf32, #tpu.memory_space<hbm>> -> memref<1x1x1x64x176xf32, #tpu.memory_space<hbm>>
    %dma_start3A_54 = tpu.memref_squeeze %dma_start3A_53 : memref<1x1x1x64x176xf32, #tpu.memory_space<hbm>> -> memref<64x176xf32, #tpu.memory_space<hbm>>
    %dma_start3A_55 = arith.constant 64 : i32
    %dma_start3A_56 = arith.constant 0 : i32
    %dma_start3A_57 = tpu.memref_slice %arg8[%dma_start3A_55, %dma_start3A_56] : memref<384x176xf32, #tpu.memory_space<vmem>> -> memref<64x176xf32, #tpu.memory_space<vmem>>
    %dma_start3A_58 = arith.constant 0 : i32
    %dma_start3A_59 = arith.constant 0 : i32
    %dma_start3A_60 = tpu.memref_slice %arg2[%select_n3A, %dma_start3A_47, %select_n3A_32, %dma_start3A_58, %dma_start3A_59] : memref<4x6x64x64x176xf32, #tpu.memory_space<hbm>> -> memref<1x1x1x64x176xf32, #tpu.memory_space<hbm>>
    %dma_start3A_61 = tpu.memref_squeeze %dma_start3A_60 : memref<1x1x1x64x176xf32, #tpu.memory_space<hbm>> -> memref<64x176xf32, #tpu.memory_space<hbm>>
    tpu.enqueue_dma source(%dma_start3A_61 : memref<64x176xf32, #tpu.memory_space<hbm>>) target(%dma_start3A_57 : memref<64x176xf32, #tpu.memory_space<vmem>>) target_semaphore(%arg21 : memref<!tpu.dma_semaphore, #tpu.memory_space<semaphore_mem>>)
    %dma_start3A_62 = arith.constant 2 : i32
    %dma_start3A_63 = arith.constant 128 : i32
    %dma_start3A_64 = arith.constant 0 : i32
    %dma_start3A_65 = tpu.memref_slice %arg8[%dma_start3A_63, %dma_start3A_64] : memref<384x176xf32, #tpu.memory_space<vmem>> -> memref<64x176xf32, #tpu.memory_space<vmem>>
    %dma_start3A_66 = arith.constant 0 : i32
    %dma_start3A_67 = arith.constant 0 : i32
    %dma_start3A_68 = tpu.memref_slice %arg2[%select_n3A, %dma_start3A_62, %select_n3A_32, %dma_start3A_66, %dma_start3A_67] : memref<4x6x64x64x176xf32, #tpu.memory_space<hbm>> -> memref<1x1x1x64x176xf32, #tpu.memory_space<hbm>>
    %dma_start3A_69 = tpu.memref_squeeze %dma_start3A_68 : memref<1x1x1x64x176xf32, #tpu.memory_space<hbm>> -> memref<64x176xf32, #tpu.memory_space<hbm>>
    %dma_start3A_70 = arith.constant 128 : i32
    %dma_start3A_71 = arith.constant 0 : i32
    %dma_start3A_72 = tpu.memref_slice %arg8[%dma_start3A_70, %dma_start3A_71] : memref<384x176xf32, #tpu.memory_space<vmem>> -> memref<64x176xf32, #tpu.memory_space<vmem>>
    %dma_start3A_73 = arith.constant 0 : i32
    %dma_start3A_74 = arith.constant 0 : i32
    %dma_start3A_75 = tpu.memref_slice %arg2[%select_n3A, %dma_start3A_62, %select_n3A_32, %dma_start3A_73, %dma_start3A_74] : memref<4x6x64x64x176xf32, #tpu.memory_space<hbm>> -> memref<1x1x1x64x176xf32, #tpu.memory_space<hbm>>
    %dma_start3A_76 = tpu.memref_squeeze %dma_start3A_75 : memref<1x1x1x64x176xf32, #tpu.memory_space<hbm>> -> memref<64x176xf32, #tpu.memory_space<hbm>>
    tpu.enqueue_dma source(%dma_start3A_76 : memref<64x176xf32, #tpu.memory_space<hbm>>) target(%dma_start3A_72 : memref<64x176xf32, #tpu.memory_space<vmem>>) target_semaphore(%arg21 : memref<!tpu.dma_semaphore, #tpu.memory_space<semaphore_mem>>)
    %dma_start3A_77 = arith.constant 3 : i32
    %dma_start3A_78 = arith.constant 192 : i32
    %dma_start3A_79 = arith.constant 0 : i32
    %dma_start3A_80 = tpu.memref_slice %arg8[%dma_start3A_78, %dma_start3A_79] : memref<384x176xf32, #tpu.memory_space<vmem>> -> memref<64x176xf32, #tpu.memory_space<vmem>>
    %dma_start3A_81 = arith.constant 0 : i32
    %dma_start3A_82 = arith.constant 0 : i32
    %dma_start3A_83 = tpu.memref_slice %arg2[%select_n3A, %dma_start3A_77, %select_n3A_32, %dma_start3A_81, %dma_start3A_82] : memref<4x6x64x64x176xf32, #tpu.memory_space<hbm>> -> memref<1x1x1x64x176xf32, #tpu.memory_space<hbm>>
    %dma_start3A_84 = tpu.memref_squeeze %dma_start3A_83 : memref<1x1x1x64x176xf32, #tpu.memory_space<hbm>> -> memref<64x176xf32, #tpu.memory_space<hbm>>
    %dma_start3A_85 = arith.constant 192 : i32
    %dma_start3A_86 = arith.constant 0 : i32
    %dma_start3A_87 = tpu.memref_slice %arg8[%dma_start3A_85, %dma_start3A_86] : memref<384x176xf32, #tpu.memory_space<vmem>> -> memref<64x176xf32, #tpu.memory_space<vmem>>
    %dma_start3A_88 = arith.constant 0 : i32
    %dma_start3A_89 = arith.constant 0 : i32
    %dma_start3A_90 = tpu.memref_slice %arg2[%select_n3A, %dma_start3A_77, %select_n3A_32, %dma_start3A_88, %dma_start3A_89] : memref<4x6x64x64x176xf32, #tpu.memory_space<hbm>> -> memref<1x1x1x64x176xf32, #tpu.memory_space<hbm>>
    %dma_start3A_91 = tpu.memref_squeeze %dma_start3A_90 : memref<1x1x1x64x176xf32, #tpu.memory_space<hbm>> -> memref<64x176xf32, #tpu.memory_space<hbm>>
    tpu.enqueue_dma source(%dma_start3A_91 : memref<64x176xf32, #tpu.memory_space<hbm>>) target(%dma_start3A_87 : memref<64x176xf32, #tpu.memory_space<vmem>>) target_semaphore(%arg21 : memref<!tpu.dma_semaphore, #tpu.memory_space<semaphore_mem>>)
    %dma_start3A_92 = arith.constant 4 : i32
    %dma_start3A_93 = arith.constant 256 : i32
    %dma_start3A_94 = arith.constant 0 : i32
    %dma_start3A_95 = tpu.memref_slice %arg8[%dma_start3A_93, %dma_start3A_94] : memref<384x176xf32, #tpu.memory_space<vmem>> -> memref<64x176xf32, #tpu.memory_space<vmem>>
    %dma_start3A_96 = arith.constant 0 : i32
    %dma_start3A_97 = arith.constant 0 : i32
    %dma_start3A_98 = tpu.memref_slice %arg2[%select_n3A, %dma_start3A_92, %select_n3A_32, %dma_start3A_96, %dma_start3A_97] : memref<4x6x64x64x176xf32, #tpu.memory_space<hbm>> -> memref<1x1x1x64x176xf32, #tpu.memory_space<hbm>>
    %dma_start3A_99 = tpu.memref_squeeze %dma_start3A_98 : memref<1x1x1x64x176xf32, #tpu.memory_space<hbm>> -> memref<64x176xf32, #tpu.memory_space<hbm>>
    %dma_start3A_100 = arith.constant 256 : i32
    %dma_start3A_101 = arith.constant 0 : i32
    %dma_start3A_102 = tpu.memref_slice %arg8[%dma_start3A_100, %dma_start3A_101] : memref<384x176xf32, #tpu.memory_space<vmem>> -> memref<64x176xf32, #tpu.memory_space<vmem>>
    %dma_start3A_103 = arith.constant 0 : i32
    %dma_start3A_104 = arith.constant 0 : i32
    %dma_start3A_105 = tpu.memref_slice %arg2[%select_n3A, %dma_start3A_92, %select_n3A_32, %dma_start3A_103, %dma_start3A_104] : memref<4x6x64x64x176xf32, #tpu.memory_space<hbm>> -> memref<1x1x1x64x176xf32, #tpu.memory_space<hbm>>
    %dma_start3A_106 = tpu.memref_squeeze %dma_start3A_105 : memref<1x1x1x64x176xf32, #tpu.memory_space<hbm>> -> memref<64x176xf32, #tpu.memory_space<hbm>>
    tpu.enqueue_dma source(%dma_start3A_106 : memref<64x176xf32, #tpu.memory_space<hbm>>) target(%dma_start3A_102 : memref<64x176xf32, #tpu.memory_space<vmem>>) target_semaphore(%arg21 : memref<!tpu.dma_semaphore, #tpu.memory_space<semaphore_mem>>)
    %dma_start3A_107 = arith.constant 5 : i32
    %dma_start3A_108 = arith.constant 320 : i32
    %dma_start3A_109 = arith.constant 0 : i32
    %dma_start3A_110 = tpu.memref_slice %arg8[%dma_start3A_108, %dma_start3A_109] : memref<384x176xf32, #tpu.memory_space<vmem>> -> memref<64x176xf32, #tpu.memory_space<vmem>>
    %dma_start3A_111 = arith.constant 0 : i32
    %dma_start3A_112 = arith.constant 0 : i32
    %dma_start3A_113 = tpu.memref_slice %arg2[%select_n3A, %dma_start3A_107, %select_n3A_32, %dma_start3A_111, %dma_start3A_112] : memref<4x6x64x64x176xf32, #tpu.memory_space<hbm>> -> memref<1x1x1x64x176xf32, #tpu.memory_space<hbm>>
    %dma_start3A_114 = tpu.memref_squeeze %dma_start3A_113 : memref<1x1x1x64x176xf32, #tpu.memory_space<hbm>> -> memref<64x176xf32, #tpu.memory_space<hbm>>
    %dma_start3A_115 = arith.constant 320 : i32
    %dma_start3A_116 = arith.constant 0 : i32
    %dma_start3A_117 = tpu.memref_slice %arg8[%dma_start3A_115, %dma_start3A_116] : memref<384x176xf32, #tpu.memory_space<vmem>> -> memref<64x176xf32, #tpu.memory_space<vmem>>
    %dma_start3A_118 = arith.constant 0 : i32
    %dma_start3A_119 = arith.constant 0 : i32
    %dma_start3A_120 = tpu.memref_slice %arg2[%select_n3A, %dma_start3A_107, %select_n3A_32, %dma_start3A_118, %dma_start3A_119] : memref<4x6x64x64x176xf32, #tpu.memory_space<hbm>> -> memref<1x1x1x64x176xf32, #tpu.memory_space<hbm>>
    %dma_start3A_121 = tpu.memref_squeeze %dma_start3A_120 : memref<1x1x1x64x176xf32, #tpu.memory_space<hbm>> -> memref<64x176xf32, #tpu.memory_space<hbm>>
    tpu.enqueue_dma source(%dma_start3A_121 : memref<64x176xf32, #tpu.memory_space<hbm>>) target(%dma_start3A_117 : memref<64x176xf32, #tpu.memory_space<vmem>>) target_semaphore(%arg21 : memref<!tpu.dma_semaphore, #tpu.memory_space<semaphore_mem>>)
    %lt3A_122 = arith.constant 200 : i32
    %lt3A_123 = arith.cmpi slt, %arg1, %lt3A_122 : i32
    %convert_element_type3A = arith.extui %lt3A_123 : i1 to i32
    %cond3A = arith.constant 0 : i32
    %cond3A_124 = arith.cmpi ne, %convert_element_type3A, %cond3A : i32
    scf.if %cond3A_124 {
      %add3A_136 = arith.constant 0 : i32
      %add3A_137 = arith.addi %arg1, %add3A_136 : i32
      %mul3A_138 = arith.constant 800 : i32
      %mul3A_139 = arith.muli %add3A_137, %mul3A_138 : i32
      %dma_start3A_140 = tpu.memref_slice %arg3[%mul3A_139] : memref<160000xi32, #tpu.memory_space<hbm>> -> memref<800xi32, #tpu.memory_space<hbm>>
      %dma_start3A_141 = tpu.memref_slice %arg3[%mul3A_139] : memref<160000xi32, #tpu.memory_space<hbm>> -> memref<800xi32, #tpu.memory_space<hbm>>
      tpu.enqueue_dma source(%dma_start3A_141 : memref<800xi32, #tpu.memory_space<hbm>>) target(%arg13 : memref<800xi32, #tpu.memory_space<vmem>>) target_semaphore(%arg22 : memref<!tpu.dma_semaphore, #tpu.memory_space<semaphore_mem>>)
      %dma_start3A_142 = tpu.memref_slice %arg5[%mul3A_139] : memref<160000xi32, #tpu.memory_space<hbm>> -> memref<800xi32, #tpu.memory_space<hbm>>
      %dma_start3A_143 = tpu.memref_slice %arg5[%mul3A_139] : memref<160000xi32, #tpu.memory_space<hbm>> -> memref<800xi32, #tpu.memory_space<hbm>>
      tpu.enqueue_dma source(%dma_start3A_143 : memref<800xi32, #tpu.memory_space<hbm>>) target(%arg15 : memref<800xi32, #tpu.memory_space<vmem>>) target_semaphore(%arg22 : memref<!tpu.dma_semaphore, #tpu.memory_space<semaphore_mem>>)
      %dma_start3A_144 = tpu.memref_slice %arg4[%mul3A_139] : memref<160000xi32, #tpu.memory_space<hbm>> -> memref<800xi32, #tpu.memory_space<hbm>>
      %dma_start3A_145 = tpu.memref_slice %arg4[%mul3A_139] : memref<160000xi32, #tpu.memory_space<hbm>> -> memref<800xi32, #tpu.memory_space<hbm>>
      tpu.enqueue_dma source(%dma_start3A_145 : memref<800xi32, #tpu.memory_space<hbm>>) target(%arg14 : memref<800xi32, #tpu.memory_space<vmem>>) target_semaphore(%arg22 : memref<!tpu.dma_semaphore, #tpu.memory_space<semaphore_mem>>)
    } else {
    }
    %scan3A = arith.constant 0 : i32
    %scan3A_125 = arith.constant 0 : i32
    %scan3A_126 = arith.constant 7 : i32
    %scan3A_127 = arith.addi %scan3A_125, %scan3A_126 : i32
    %scan3A_128 = arith.constant 1 : i32
    scf.for %scan3A_136 = %scan3A_125 to %scan3A_127 step %scan3A_128  : i32 {
      %mul3A_137 = arith.constant 2 : i32
      %mul3A_138 = arith.muli %scan3A_136, %mul3A_137 : i32
      %add3A_139 = arith.constant 0 : i32
      %add3A_140 = arith.addi %mul3A_138, %add3A_139 : i32
      %mul3A_141 = arith.constant 16 : i32
      %mul3A_142 = arith.muli %add3A_140, %mul3A_141 : i32
      %add3A_143 = arith.addi %arg1, %mul3A_142 : i32
      %lt3A_144 = arith.constant 200 : i32
      %lt3A_145 = arith.cmpi slt, %add3A_143, %lt3A_144 : i32
      %convert_element_type3A_146 = arith.extui %lt3A_145 : i1 to i32
      %cond3A_147 = arith.constant 0 : i32
      %cond3A_148 = arith.cmpi ne, %convert_element_type3A_146, %cond3A_147 : i32
      scf.if %cond3A_148 {
        %add3A_161 = arith.constant 1 : i32
        %add3A_162 = arith.addi %add3A_140, %add3A_161 : i32
        %mul3A_163 = arith.constant 16 : i32
        %mul3A_164 = arith.muli %add3A_162, %mul3A_163 : i32
        %add3A_165 = arith.addi %arg1, %mul3A_164 : i32
        %lt3A_166 = arith.constant 200 : i32
        %lt3A_167 = arith.cmpi slt, %add3A_165, %lt3A_166 : i32
        %convert_element_type3A_168 = arith.extui %lt3A_167 : i1 to i32
        %cond3A_169 = arith.constant 0 : i32
        %cond3A_170 = arith.cmpi ne, %convert_element_type3A_168, %cond3A_169 : i32
        scf.if %cond3A_170 {
          %add3A_188 = arith.constant 1 : i32
          %add3A_189 = arith.addi %add3A_140, %add3A_188 : i32
          %mul3A_190 = arith.constant 16 : i32
          %mul3A_191 = arith.muli %add3A_189, %mul3A_190 : i32
          %add3A_192 = arith.addi %arg1, %mul3A_191 : i32
          %mul3A_193 = arith.constant 800 : i32
          %mul3A_194 = arith.muli %add3A_192, %mul3A_193 : i32
          %dma_start3A_195 = tpu.memref_slice %arg3[%mul3A_194] : memref<160000xi32, #tpu.memory_space<hbm>> -> memref<800xi32, #tpu.memory_space<hbm>>
          %dma_start3A_196 = tpu.memref_slice %arg3[%mul3A_194] : memref<160000xi32, #tpu.memory_space<hbm>> -> memref<800xi32, #tpu.memory_space<hbm>>
          tpu.enqueue_dma source(%dma_start3A_196 : memref<800xi32, #tpu.memory_space<hbm>>) target(%arg16 : memref<800xi32, #tpu.memory_space<vmem>>) target_semaphore(%arg23 : memref<!tpu.dma_semaphore, #tpu.memory_space<semaphore_mem>>)
          %dma_start3A_197 = tpu.memref_slice %arg5[%mul3A_194] : memref<160000xi32, #tpu.memory_space<hbm>> -> memref<800xi32, #tpu.memory_space<hbm>>
          %dma_start3A_198 = tpu.memref_slice %arg5[%mul3A_194] : memref<160000xi32, #tpu.memory_space<hbm>> -> memref<800xi32, #tpu.memory_space<hbm>>
          tpu.enqueue_dma source(%dma_start3A_198 : memref<800xi32, #tpu.memory_space<hbm>>) target(%arg18 : memref<800xi32, #tpu.memory_space<vmem>>) target_semaphore(%arg23 : memref<!tpu.dma_semaphore, #tpu.memory_space<semaphore_mem>>)
          %dma_start3A_199 = tpu.memref_slice %arg4[%mul3A_194] : memref<160000xi32, #tpu.memory_space<hbm>> -> memref<800xi32, #tpu.memory_space<hbm>>
          %dma_start3A_200 = tpu.memref_slice %arg4[%mul3A_194] : memref<160000xi32, #tpu.memory_space<hbm>> -> memref<800xi32, #tpu.memory_space<hbm>>
          tpu.enqueue_dma source(%dma_start3A_200 : memref<800xi32, #tpu.memory_space<hbm>>) target(%arg17 : memref<800xi32, #tpu.memory_space<vmem>>) target_semaphore(%arg23 : memref<!tpu.dma_semaphore, #tpu.memory_space<semaphore_mem>>)
        } else {
        }
        %mul3A_171 = arith.constant 16 : i32
        %mul3A_172 = arith.muli %add3A_140, %mul3A_171 : i32
        %add3A_173 = arith.addi %arg1, %mul3A_172 : i32
        %mul3A_174 = arith.constant 800 : i32
        %mul3A_175 = arith.muli %add3A_173, %mul3A_174 : i32
        %dma_wait3A = tpu.memref_slice %arg3[%mul3A_175] : memref<160000xi32, #tpu.memory_space<hbm>> -> memref<800xi32, #tpu.memory_space<hbm>>
        %dma_wait3A_176 = tpu.memref_slice %arg3[%mul3A_175] : memref<160000xi32, #tpu.memory_space<hbm>> -> memref<800xi32, #tpu.memory_space<hbm>>
        tpu.wait_dma2 semaphore(%arg22 : memref<!tpu.dma_semaphore, #tpu.memory_space<semaphore_mem>>) src(%dma_wait3A_176 : memref<800xi32, #tpu.memory_space<hbm>>) dst(%arg13 : memref<800xi32, #tpu.memory_space<vmem>>)
        %dma_wait3A_177 = tpu.memref_slice %arg5[%mul3A_175] : memref<160000xi32, #tpu.memory_space<hbm>> -> memref<800xi32, #tpu.memory_space<hbm>>
        %dma_wait3A_178 = tpu.memref_slice %arg5[%mul3A_175] : memref<160000xi32, #tpu.memory_space<hbm>> -> memref<800xi32, #tpu.memory_space<hbm>>
        tpu.wait_dma2 semaphore(%arg22 : memref<!tpu.dma_semaphore, #tpu.memory_space<semaphore_mem>>) src(%dma_wait3A_178 : memref<800xi32, #tpu.memory_space<hbm>>) dst(%arg15 : memref<800xi32, #tpu.memory_space<vmem>>)
        %dma_wait3A_179 = tpu.memref_slice %arg4[%mul3A_175] : memref<160000xi32, #tpu.memory_space<hbm>> -> memref<800xi32, #tpu.memory_space<hbm>>
        %dma_wait3A_180 = tpu.memref_slice %arg4[%mul3A_175] : memref<160000xi32, #tpu.memory_space<hbm>> -> memref<800xi32, #tpu.memory_space<hbm>>
        tpu.wait_dma2 semaphore(%arg22 : memref<!tpu.dma_semaphore, #tpu.memory_space<semaphore_mem>>) src(%dma_wait3A_180 : memref<800xi32, #tpu.memory_space<hbm>>) dst(%arg14 : memref<800xi32, #tpu.memory_space<vmem>>)
        %parallel_loop3A = arith.constant 0 : i32
        %parallel_loop3A_181 = arith.constant 800 : i32
        %parallel_loop3A_182 = arith.constant 16 : i32
        scf.for %parallel_loop3A_188 = %parallel_loop3A to %parallel_loop3A_181 step %parallel_loop3A_182  : i32 {
          %parallel_loop3A_189 = arith.index_cast %parallel_loop3A_188 : i32 to index
          %parallel_loop3A_190 = tpu.vector_load %arg13[%parallel_loop3A_189] {strides = array<i32>} : memref<800xi32, #tpu.memory_space<vmem>>, vector<16xi32>,
          %parallel_loop3A_191 = arith.constant 16384 : i32
          %parallel_loop3A_192 = vector.broadcast %parallel_loop3A_191 : i32 to vector<16xi32>
          %parallel_loop3A_193 = arith.muli %parallel_loop3A_190, %parallel_loop3A_192 : vector<16xi32>
          %parallel_loop3A_194 = arith.index_cast %parallel_loop3A_188 : i32 to index
          %parallel_loop3A_195 = tpu.vector_load %arg15[%parallel_loop3A_194] {strides = array<i32>} : memref<800xi32, #tpu.memory_space<vmem>>, vector<16xi32>,
          %parallel_loop3A_196 = arith.constant 256 : i32
          %parallel_loop3A_197 = vector.broadcast %parallel_loop3A_196 : i32 to vector<16xi32>
          %parallel_loop3A_198 = arith.muli %parallel_loop3A_195, %parallel_loop3A_197 : vector<16xi32>
          %parallel_loop3A_199 = arith.addi %parallel_loop3A_193, %parallel_loop3A_198 : vector<16xi32>
          %parallel_loop3A_200 = arith.index_cast %parallel_loop3A_188 : i32 to index
          %parallel_loop3A_201 = tpu.vector_load %arg14[%parallel_loop3A_200] {strides = array<i32>} : memref<800xi32, #tpu.memory_space<vmem>>, vector<16xi32>,
          %parallel_loop3A_202 = arith.addi %parallel_loop3A_199, %parallel_loop3A_201 : vector<16xi32>
          %parallel_loop3A_203 = arith.index_cast %parallel_loop3A_188 : i32 to index
          %parallel_loop3A_204 = tpu.vector_load %arg19[%parallel_loop3A_203] {strides = array<i32>} : memref<800xi32, #tpu.memory_space<vmem>>, vector<16xi32>,
          tpu.vector_store %arg19[%parallel_loop3A_203], %parallel_loop3A_202 {strides = array<i32>} : memref<800xi32, #tpu.memory_space<vmem>>, vector<16xi32>,
        } {sc.loop_unroll_factor = 8 : i64, sc.parallel_access}
        %parallel_loop3A_183 = arith.constant 0 : i32
        %parallel_loop3A_184 = arith.constant 1024 : i32
        %parallel_loop3A_185 = arith.constant 16 : i32
        scf.for %parallel_loop3A_188 = %parallel_loop3A_183 to %parallel_loop3A_184 step %parallel_loop3A_185  : i32 {
          %parallel_loop3A_189 = tpu.iota {dimensions = array<i32: 0>} : vector<16xi32>
          %parallel_loop3A_190 = vector.broadcast %parallel_loop3A_188 : i32 to vector<16xi32>
          %parallel_loop3A_191 = arith.addi %parallel_loop3A_189, %parallel_loop3A_190 : vector<16xi32>
          %parallel_loop3A_192 = arith.constant 9 : i32
          %parallel_loop3A_193 = vector.broadcast %parallel_loop3A_192 : i32 to vector<16xi32>
          %parallel_loop3A_194 = arith.shrui %parallel_loop3A_191, %parallel_loop3A_193 : vector<16xi32>
          %parallel_loop3A_195 = arith.constant 7 : i32
          %parallel_loop3A_196 = vector.broadcast %parallel_loop3A_195 : i32 to vector<16xi32>
          %parallel_loop3A_197 = arith.shrui %parallel_loop3A_191, %parallel_loop3A_196 : vector<16xi32>
          %parallel_loop3A_198 = arith.constant 3 : i32
          %parallel_loop3A_199 = vector.broadcast %parallel_loop3A_198 : i32 to vector<16xi32>
          %parallel_loop3A_200 = arith.andi %parallel_loop3A_197, %parallel_loop3A_199 : vector<16xi32>
          %parallel_loop3A_201 = arith.constant 7 : i32
          %parallel_loop3A_202 = vector.broadcast %parallel_loop3A_201 : i32 to vector<16xi32>
          %parallel_loop3A_203 = arith.shli %parallel_loop3A_194, %parallel_loop3A_202 : vector<16xi32>
          %parallel_loop3A_204 = arith.constant 127 : i32
          %parallel_loop3A_205 = vector.broadcast %parallel_loop3A_204 : i32 to vector<16xi32>
          %parallel_loop3A_206 = arith.andi %parallel_loop3A_191, %parallel_loop3A_205 : vector<16xi32>
          %parallel_loop3A_207 = arith.addi %parallel_loop3A_203, %parallel_loop3A_206 : vector<16xi32>
          %parallel_loop3A_208 = arith.constant 2 : i32
          %parallel_loop3A_209 = vector.broadcast %parallel_loop3A_208 : i32 to vector<16xi32>
          %parallel_loop3A_210 = arith.shli %parallel_loop3A_207, %parallel_loop3A_209 : vector<16xi32>
          %parallel_loop3A_211 = arith.addi %parallel_loop3A_210, %parallel_loop3A_200 : vector<16xi32>
          %parallel_loop3A_212 = arith.constant 200 : i32
          %parallel_loop3A_213 = vector.broadcast %parallel_loop3A_212 : i32 to vector<16xi32>
          %parallel_loop3A_214 = arith.cmpi slt, %parallel_loop3A_207, %parallel_loop3A_213 : vector<16xi32>
          %parallel_loop3A_215 = arith.constant 0 : i32
          %parallel_loop3A_216 = vector.broadcast %parallel_loop3A_215 : i32 to vector<16xi32>
          %parallel_loop3A_217 = arith.select %parallel_loop3A_214, %parallel_loop3A_211, %parallel_loop3A_216 : vector<16xi1>, vector<16xi32>
          %parallel_loop3A_218 = tpu.vector_load_idx %arg19[%parallel_loop3A_217] : memref<800xi32, #tpu.memory_space<vmem>>[vector<16xi32>], vector<16xi32>,
          %parallel_loop3A_219 = arith.index_cast %parallel_loop3A_188 : i32 to index
          %parallel_loop3A_220 = tpu.vector_load %arg20[%parallel_loop3A_219] {strides = array<i32>} : memref<1024xi32, #tpu.memory_space<vmem>>, vector<16xi32>,
          tpu.vector_store %arg20[%parallel_loop3A_219], %parallel_loop3A_218 {strides = array<i32>} : memref<1024xi32, #tpu.memory_space<vmem>>, vector<16xi32>,
        } {sc.loop_unroll_factor = 8 : i64, sc.parallel_access}
        %mul3A_186 = arith.constant 1024 : i32
        %mul3A_187 = arith.muli %add3A_173, %mul3A_186 : i32
        "tpu.region"() ({
          %run_scoped3A = tpu.sem_alloc : memref<!tpu.dma_semaphore, #tpu.memory_space<semaphore_mem>>
          %dma_start3A_188 = tpu.memref_slice %arg7[%mul3A_187] : memref<204800xi32, #tpu.memory_space<vmem_shared>> -> memref<1024xi32, #tpu.memory_space<vmem_shared>>
          %dma_start3A_189 = tpu.memref_slice %arg7[%mul3A_187] : memref<204800xi32, #tpu.memory_space<vmem_shared>> -> memref<1024xi32, #tpu.memory_space<vmem_shared>>
          tpu.enqueue_dma source(%arg20 : memref<1024xi32, #tpu.memory_space<vmem>>) target(%dma_start3A_189 : memref<1024xi32, #tpu.memory_space<vmem_shared>>) target_semaphore(%run_scoped3A : memref<!tpu.dma_semaphore, #tpu.memory_space<semaphore_mem>>)
          %dma_wait3A_190 = tpu.memref_slice %arg7[%mul3A_187] : memref<204800xi32, #tpu.memory_space<vmem_shared>> -> memref<1024xi32, #tpu.memory_space<vmem_shared>>
          %dma_wait3A_191 = tpu.memref_slice %arg7[%mul3A_187] : memref<204800xi32, #tpu.memory_space<vmem_shared>> -> memref<1024xi32, #tpu.memory_space<vmem_shared>>
          tpu.wait_dma2 semaphore(%run_scoped3A : memref<!tpu.dma_semaphore, #tpu.memory_space<semaphore_mem>>) src(%arg20 : memref<1024xi32, #tpu.memory_space<vmem>>) dst(%dma_wait3A_191 : memref<1024xi32, #tpu.memory_space<vmem_shared>>)
          tpu.yield
        }) : () -> ()
      } else {
      }
      %mul3A_149 = arith.constant 2 : i32
      %mul3A_150 = arith.muli %scan3A_136, %mul3A_149 : i32
      %add3A_151 = arith.constant 1 : i32
      %add3A_152 = arith.addi %mul3A_150, %add3A_151 : i32
      %mul3A_153 = arith.constant 16 : i32
      %mul3A_154 = arith.muli %add3A_152, %mul3A_153 : i32
      %add3A_155 = arith.addi %arg1, %mul3A_154 : i32
      %lt3A_156 = arith.constant 200 : i32
      %lt3A_157 = arith.cmpi slt, %add3A_155, %lt3A_156 : i32
      %convert_element_type3A_158 = arith.extui %lt3A_157 : i1 to i32
      %cond3A_159 = arith.constant 0 : i32
      %cond3A_160 = arith.cmpi ne, %convert_element_type3A_158, %cond3A_159 : i32
      scf.if %cond3A_160 {
        %add3A_161 = arith.constant 1 : i32
        %add3A_162 = arith.addi %add3A_152, %add3A_161 : i32
        %mul3A_163 = arith.constant 16 : i32
        %mul3A_164 = arith.muli %add3A_162, %mul3A_163 : i32
        %add3A_165 = arith.addi %arg1, %mul3A_164 : i32
        %lt3A_166 = arith.constant 200 : i32
        %lt3A_167 = arith.cmpi slt, %add3A_165, %lt3A_166 : i32
        %convert_element_type3A_168 = arith.extui %lt3A_167 : i1 to i32
        %cond3A_169 = arith.constant 0 : i32
        %cond3A_170 = arith.cmpi ne, %convert_element_type3A_168, %cond3A_169 : i32
        scf.if %cond3A_170 {
          %add3A_188 = arith.constant 1 : i32
          %add3A_189 = arith.addi %add3A_152, %add3A_188 : i32
          %mul3A_190 = arith.constant 16 : i32
          %mul3A_191 = arith.muli %add3A_189, %mul3A_190 : i32
          %add3A_192 = arith.addi %arg1, %mul3A_191 : i32
          %mul3A_193 = arith.constant 800 : i32
          %mul3A_194 = arith.muli %add3A_192, %mul3A_193 : i32
          %dma_start3A_195 = tpu.memref_slice %arg3[%mul3A_194] : memref<160000xi32, #tpu.memory_space<hbm>> -> memref<800xi32, #tpu.memory_space<hbm>>
          %dma_start3A_196 = tpu.memref_slice %arg3[%mul3A_194] : memref<160000xi32, #tpu.memory_space<hbm>> -> memref<800xi32, #tpu.memory_space<hbm>>
          tpu.enqueue_dma source(%dma_start3A_196 : memref<800xi32, #tpu.memory_space<hbm>>) target(%arg13 : memref<800xi32, #tpu.memory_space<vmem>>) target_semaphore(%arg22 : memref<!tpu.dma_semaphore, #tpu.memory_space<semaphore_mem>>)
          %dma_start3A_197 = tpu.memref_slice %arg5[%mul3A_194] : memref<160000xi32, #tpu.memory_space<hbm>> -> memref<800xi32, #tpu.memory_space<hbm>>
          %dma_start3A_198 = tpu.memref_slice %arg5[%mul3A_194] : memref<160000xi32, #tpu.memory_space<hbm>> -> memref<800xi32, #tpu.memory_space<hbm>>
          tpu.enqueue_dma source(%dma_start3A_198 : memref<800xi32, #tpu.memory_space<hbm>>) target(%arg15 : memref<800xi32, #tpu.memory_space<vmem>>) target_semaphore(%arg22 : memref<!tpu.dma_semaphore, #tpu.memory_space<semaphore_mem>>)
          %dma_start3A_199 = tpu.memref_slice %arg4[%mul3A_194] : memref<160000xi32, #tpu.memory_space<hbm>> -> memref<800xi32, #tpu.memory_space<hbm>>
          %dma_start3A_200 = tpu.memref_slice %arg4[%mul3A_194] : memref<160000xi32, #tpu.memory_space<hbm>> -> memref<800xi32, #tpu.memory_space<hbm>>
          tpu.enqueue_dma source(%dma_start3A_200 : memref<800xi32, #tpu.memory_space<hbm>>) target(%arg14 : memref<800xi32, #tpu.memory_space<vmem>>) target_semaphore(%arg22 : memref<!tpu.dma_semaphore, #tpu.memory_space<semaphore_mem>>)
        } else {
        }
        %mul3A_171 = arith.constant 16 : i32
        %mul3A_172 = arith.muli %add3A_152, %mul3A_171 : i32
        %add3A_173 = arith.addi %arg1, %mul3A_172 : i32
        %mul3A_174 = arith.constant 800 : i32
        %mul3A_175 = arith.muli %add3A_173, %mul3A_174 : i32
        %dma_wait3A = tpu.memref_slice %arg3[%mul3A_175] : memref<160000xi32, #tpu.memory_space<hbm>> -> memref<800xi32, #tpu.memory_space<hbm>>
        %dma_wait3A_176 = tpu.memref_slice %arg3[%mul3A_175] : memref<160000xi32, #tpu.memory_space<hbm>> -> memref<800xi32, #tpu.memory_space<hbm>>
        tpu.wait_dma2 semaphore(%arg23 : memref<!tpu.dma_semaphore, #tpu.memory_space<semaphore_mem>>) src(%dma_wait3A_176 : memref<800xi32, #tpu.memory_space<hbm>>) dst(%arg16 : memref<800xi32, #tpu.memory_space<vmem>>)
        %dma_wait3A_177 = tpu.memref_slice %arg5[%mul3A_175] : memref<160000xi32, #tpu.memory_space<hbm>> -> memref<800xi32, #tpu.memory_space<hbm>>
        %dma_wait3A_178 = tpu.memref_slice %arg5[%mul3A_175] : memref<160000xi32, #tpu.memory_space<hbm>> -> memref<800xi32, #tpu.memory_space<hbm>>
        tpu.wait_dma2 semaphore(%arg23 : memref<!tpu.dma_semaphore, #tpu.memory_space<semaphore_mem>>) src(%dma_wait3A_178 : memref<800xi32, #tpu.memory_space<hbm>>) dst(%arg18 : memref<800xi32, #tpu.memory_space<vmem>>)
        %dma_wait3A_179 = tpu.memref_slice %arg4[%mul3A_175] : memref<160000xi32, #tpu.memory_space<hbm>> -> memref<800xi32, #tpu.memory_space<hbm>>
        %dma_wait3A_180 = tpu.memref_slice %arg4[%mul3A_175] : memref<160000xi32, #tpu.memory_space<hbm>> -> memref<800xi32, #tpu.memory_space<hbm>>
        tpu.wait_dma2 semaphore(%arg23 : memref<!tpu.dma_semaphore, #tpu.memory_space<semaphore_mem>>) src(%dma_wait3A_180 : memref<800xi32, #tpu.memory_space<hbm>>) dst(%arg17 : memref<800xi32, #tpu.memory_space<vmem>>)
        %parallel_loop3A = arith.constant 0 : i32
        %parallel_loop3A_181 = arith.constant 800 : i32
        %parallel_loop3A_182 = arith.constant 16 : i32
        scf.for %parallel_loop3A_188 = %parallel_loop3A to %parallel_loop3A_181 step %parallel_loop3A_182  : i32 {
          %parallel_loop3A_189 = arith.index_cast %parallel_loop3A_188 : i32 to index
          %parallel_loop3A_190 = tpu.vector_load %arg16[%parallel_loop3A_189] {strides = array<i32>} : memref<800xi32, #tpu.memory_space<vmem>>, vector<16xi32>,
          %parallel_loop3A_191 = arith.constant 16384 : i32
          %parallel_loop3A_192 = vector.broadcast %parallel_loop3A_191 : i32 to vector<16xi32>
          %parallel_loop3A_193 = arith.muli %parallel_loop3A_190, %parallel_loop3A_192 : vector<16xi32>
          %parallel_loop3A_194 = arith.index_cast %parallel_loop3A_188 : i32 to index
          %parallel_loop3A_195 = tpu.vector_load %arg18[%parallel_loop3A_194] {strides = array<i32>} : memref<800xi32, #tpu.memory_space<vmem>>, vector<16xi32>,
          %parallel_loop3A_196 = arith.constant 256 : i32
          %parallel_loop3A_197 = vector.broadcast %parallel_loop3A_196 : i32 to vector<16xi32>
          %parallel_loop3A_198 = arith.muli %parallel_loop3A_195, %parallel_loop3A_197 : vector<16xi32>
          %parallel_loop3A_199 = arith.addi %parallel_loop3A_193, %parallel_loop3A_198 : vector<16xi32>
          %parallel_loop3A_200 = arith.index_cast %parallel_loop3A_188 : i32 to index
          %parallel_loop3A_201 = tpu.vector_load %arg17[%parallel_loop3A_200] {strides = array<i32>} : memref<800xi32, #tpu.memory_space<vmem>>, vector<16xi32>,
          %parallel_loop3A_202 = arith.addi %parallel_loop3A_199, %parallel_loop3A_201 : vector<16xi32>
          %parallel_loop3A_203 = arith.index_cast %parallel_loop3A_188 : i32 to index
          %parallel_loop3A_204 = tpu.vector_load %arg19[%parallel_loop3A_203] {strides = array<i32>} : memref<800xi32, #tpu.memory_space<vmem>>, vector<16xi32>,
          tpu.vector_store %arg19[%parallel_loop3A_203], %parallel_loop3A_202 {strides = array<i32>} : memref<800xi32, #tpu.memory_space<vmem>>, vector<16xi32>,
        } {sc.loop_unroll_factor = 8 : i64, sc.parallel_access}
        %parallel_loop3A_183 = arith.constant 0 : i32
        %parallel_loop3A_184 = arith.constant 1024 : i32
        %parallel_loop3A_185 = arith.constant 16 : i32
        scf.for %parallel_loop3A_188 = %parallel_loop3A_183 to %parallel_loop3A_184 step %parallel_loop3A_185  : i32 {
          %parallel_loop3A_189 = tpu.iota {dimensions = array<i32: 0>} : vector<16xi32>
          %parallel_loop3A_190 = vector.broadcast %parallel_loop3A_188 : i32 to vector<16xi32>
          %parallel_loop3A_191 = arith.addi %parallel_loop3A_189, %parallel_loop3A_190 : vector<16xi32>
          %parallel_loop3A_192 = arith.constant 9 : i32
          %parallel_loop3A_193 = vector.broadcast %parallel_loop3A_192 : i32 to vector<16xi32>
          %parallel_loop3A_194 = arith.shrui %parallel_loop3A_191, %parallel_loop3A_193 : vector<16xi32>
          %parallel_loop3A_195 = arith.constant 7 : i32
          %parallel_loop3A_196 = vector.broadcast %parallel_loop3A_195 : i32 to vector<16xi32>
          %parallel_loop3A_197 = arith.shrui %parallel_loop3A_191, %parallel_loop3A_196 : vector<16xi32>
          %parallel_loop3A_198 = arith.constant 3 : i32
          %parallel_loop3A_199 = vector.broadcast %parallel_loop3A_198 : i32 to vector<16xi32>
          %parallel_loop3A_200 = arith.andi %parallel_loop3A_197, %parallel_loop3A_199 : vector<16xi32>
          %parallel_loop3A_201 = arith.constant 7 : i32
          %parallel_loop3A_202 = vector.broadcast %parallel_loop3A_201 : i32 to vector<16xi32>
          %parallel_loop3A_203 = arith.shli %parallel_loop3A_194, %parallel_loop3A_202 : vector<16xi32>
          %parallel_loop3A_204 = arith.constant 127 : i32
          %parallel_loop3A_205 = vector.broadcast %parallel_loop3A_204 : i32 to vector<16xi32>
          %parallel_loop3A_206 = arith.andi %parallel_loop3A_191, %parallel_loop3A_205 : vector<16xi32>
          %parallel_loop3A_207 = arith.addi %parallel_loop3A_203, %parallel_loop3A_206 : vector<16xi32>
          %parallel_loop3A_208 = arith.constant 2 : i32
          %parallel_loop3A_209 = vector.broadcast %parallel_loop3A_208 : i32 to vector<16xi32>
          %parallel_loop3A_210 = arith.shli %parallel_loop3A_207, %parallel_loop3A_209 : vector<16xi32>
          %parallel_loop3A_211 = arith.addi %parallel_loop3A_210, %parallel_loop3A_200 : vector<16xi32>
          %parallel_loop3A_212 = arith.constant 200 : i32
          %parallel_loop3A_213 = vector.broadcast %parallel_loop3A_212 : i32 to vector<16xi32>
          %parallel_loop3A_214 = arith.cmpi slt, %parallel_loop3A_207, %parallel_loop3A_213 : vector<16xi32>
          %parallel_loop3A_215 = arith.constant 0 : i32
          %parallel_loop3A_216 = vector.broadcast %parallel_loop3A_215 : i32 to vector<16xi32>
          %parallel_loop3A_217 = arith.select %parallel_loop3A_214, %parallel_loop3A_211, %parallel_loop3A_216 : vector<16xi1>, vector<16xi32>
          %parallel_loop3A_218 = tpu.vector_load_idx %arg19[%parallel_loop3A_217] : memref<800xi32, #tpu.memory_space<vmem>>[vector<16xi32>], vector<16xi32>,
          %parallel_loop3A_219 = arith.index_cast %parallel_loop3A_188 : i32 to index
          %parallel_loop3A_220 = tpu.vector_load %arg20[%parallel_loop3A_219] {strides = array<i32>} : memref<1024xi32, #tpu.memory_space<vmem>>, vector<16xi32>,
          tpu.vector_store %arg20[%parallel_loop3A_219], %parallel_loop3A_218 {strides = array<i32>} : memref<1024xi32, #tpu.memory_space<vmem>>, vector<16xi32>,
        } {sc.loop_unroll_factor = 8 : i64, sc.parallel_access}
        %mul3A_186 = arith.constant 1024 : i32
        %mul3A_187 = arith.muli %add3A_173, %mul3A_186 : i32
        "tpu.region"() ({
          %run_scoped3A = tpu.sem_alloc : memref<!tpu.dma_semaphore, #tpu.memory_space<semaphore_mem>>
          %dma_start3A_188 = tpu.memref_slice %arg7[%mul3A_187] : memref<204800xi32, #tpu.memory_space<vmem_shared>> -> memref<1024xi32, #tpu.memory_space<vmem_shared>>
          %dma_start3A_189 = tpu.memref_slice %arg7[%mul3A_187] : memref<204800xi32, #tpu.memory_space<vmem_shared>> -> memref<1024xi32, #tpu.memory_space<vmem_shared>>
          tpu.enqueue_dma source(%arg20 : memref<1024xi32, #tpu.memory_space<vmem>>) target(%dma_start3A_189 : memref<1024xi32, #tpu.memory_space<vmem_shared>>) target_semaphore(%run_scoped3A : memref<!tpu.dma_semaphore, #tpu.memory_space<semaphore_mem>>)
          %dma_wait3A_190 = tpu.memref_slice %arg7[%mul3A_187] : memref<204800xi32, #tpu.memory_space<vmem_shared>> -> memref<1024xi32, #tpu.memory_space<vmem_shared>>
          %dma_wait3A_191 = tpu.memref_slice %arg7[%mul3A_187] : memref<204800xi32, #tpu.memory_space<vmem_shared>> -> memref<1024xi32, #tpu.memory_space<vmem_shared>>
          tpu.wait_dma2 semaphore(%run_scoped3A : memref<!tpu.dma_semaphore, #tpu.memory_space<semaphore_mem>>) src(%arg20 : memref<1024xi32, #tpu.memory_space<vmem>>) dst(%dma_wait3A_191 : memref<1024xi32, #tpu.memory_space<vmem_shared>>)
          tpu.yield
        }) : () -> ()
      } else {
      }
    }
    %scan3A_129 = arith.constant 7 : i32
    %barrier3A = arith.constant 0 : index
    tpu.barrier barrier_id(%barrier3A)
    %scan3A_130 = arith.constant 0 : i32
    %scan3A_131 = arith.constant 0 : i32
    %scan3A_132 = arith.constant 8 : i32
    %scan3A_133 = arith.addi %scan3A_131, %scan3A_132 : i32
    %scan3A_134 = arith.constant 1 : i32
    scf.for %scan3A_136 = %scan3A_131 to %scan3A_133 step %scan3A_134  : i32 {
      %mul3A_137 = arith.constant 8 : i32
      %mul3A_138 = arith.muli %add3A, %mul3A_137 : i32
      %add3A_139 = arith.addi %mul3A_138, %scan3A_136 : i32
      %mul3A_140 = arith.constant 204800 : i32
      %mul3A_141 = arith.muli %add3A_139, %mul3A_140 : i32
      %gt3A = arith.constant 0 : i32
      %gt3A_142 = arith.cmpi sgt, %scan3A_136, %gt3A : i32
      %convert_element_type3A_143 = arith.extui %gt3A_142 : i1 to i32
      %cond3A_144 = arith.constant 0 : i32
      %cond3A_145 = arith.cmpi ne, %convert_element_type3A_143, %cond3A_144 : i32
      scf.if %cond3A_145 {
        %jit3A_269 = arith.constant 64 : i32
        %div3A_270 = arith.divsi %add3A_139, %jit3A_269 : i32
        %sign3A_271 = arith.constant 0 : i32
        %sign3A_272 = arith.cmpi sgt, %add3A_139, %sign3A_271 : i32
        %sign3A_273 = arith.extui %sign3A_272 : i1 to i32
        %sign3A_274 = arith.constant 0 : i32
        %sign3A_275 = arith.cmpi slt, %add3A_139, %sign3A_274 : i32
        %sign3A_276 = arith.extui %sign3A_275 : i1 to i32
        %sign3A_277 = arith.subi %sign3A_273, %sign3A_276 : i32
        %sign3A_278 = arith.constant 0 : i32
        %sign3A_279 = arith.cmpi sgt, %jit3A_269, %sign3A_278 : i32
        %sign3A_280 = arith.extui %sign3A_279 : i1 to i32
        %sign3A_281 = arith.constant 0 : i32
        %sign3A_282 = arith.cmpi slt, %jit3A_269, %sign3A_281 : i32
        %sign3A_283 = arith.extui %sign3A_282 : i1 to i32
        %sign3A_284 = arith.subi %sign3A_280, %sign3A_283 : i32
        %ne3A_285 = arith.cmpi ne, %sign3A_277, %sign3A_284 : i32
        %rem3A_286 = arith.remsi %add3A_139, %jit3A_269 : i32
        %ne3A_287 = arith.constant 0 : i32
        %ne3A_288 = arith.cmpi ne, %rem3A_286, %ne3A_287 : i32
        %and3A_289 = arith.andi %ne3A_285, %ne3A_288 : i1
        %sub3A_290 = arith.constant 1 : i32
        %sub3A_291 = arith.subi %div3A_270, %sub3A_290 : i32
        %select_n3A_292 = arith.select %and3A_289, %sub3A_291, %div3A_270 : i32
        %jit3A_293 = arith.constant 64 : i32
        %eq3A_294 = arith.constant 0 : i32
        %eq3A_295 = arith.cmpi eq, %jit3A_293, %eq3A_294 : i32
        %jit3A_296 = arith.constant 1 : i32
        %select_n3A_297 = arith.select %eq3A_295, %jit3A_296, %jit3A_293 : i32
        %rem3A_298 = arith.remsi %add3A_139, %select_n3A_297 : i32
        %ne3A_299 = arith.constant 0 : i32
        %ne3A_300 = arith.cmpi ne, %rem3A_298, %ne3A_299 : i32
        %lt3A_301 = arith.constant 0 : i32
        %lt3A_302 = arith.cmpi slt, %rem3A_298, %lt3A_301 : i32
        %lt3A_303 = arith.constant 0 : i32
        %lt3A_304 = arith.cmpi slt, %select_n3A_297, %lt3A_303 : i32
        %ne3A_305 = arith.xori %lt3A_302, %lt3A_304 : i1
        %and3A_306 = arith.andi %ne3A_305, %ne3A_300 : i1
        %add3A_307 = arith.addi %rem3A_298, %select_n3A_297 : i32
        %select_n3A_308 = arith.select %and3A_306, %add3A_307, %rem3A_298 : i32
        %dma_start3A_309 = arith.constant 0 : i32
        %dma_start3A_310 = arith.constant 0 : i32
        %dma_start3A_311 = arith.constant 0 : i32
        %dma_start3A_312 = tpu.memref_slice %arg8[%dma_start3A_310, %dma_start3A_311] : memref<384x176xf32, #tpu.memory_space<vmem>> -> memref<64x176xf32, #tpu.memory_space<vmem>>
        %dma_start3A_313 = arith.constant 0 : i32
        %dma_start3A_314 = arith.constant 0 : i32
        %dma_start3A_315 = tpu.memref_slice %arg2[%select_n3A_292, %dma_start3A_309, %select_n3A_308, %dma_start3A_313, %dma_start3A_314] : memref<4x6x64x64x176xf32, #tpu.memory_space<hbm>> -> memref<1x1x1x64x176xf32, #tpu.memory_space<hbm>>
        %dma_start3A_316 = tpu.memref_squeeze %dma_start3A_315 : memref<1x1x1x64x176xf32, #tpu.memory_space<hbm>> -> memref<64x176xf32, #tpu.memory_space<hbm>>
        %dma_start3A_317 = arith.constant 0 : i32
        %dma_start3A_318 = arith.constant 0 : i32
        %dma_start3A_319 = tpu.memref_slice %arg8[%dma_start3A_317, %dma_start3A_318] : memref<384x176xf32, #tpu.memory_space<vmem>> -> memref<64x176xf32, #tpu.memory_space<vmem>>
        %dma_start3A_320 = arith.constant 0 : i32
        %dma_start3A_321 = arith.constant 0 : i32
        %dma_start3A_322 = tpu.memref_slice %arg2[%select_n3A_292, %dma_start3A_309, %select_n3A_308, %dma_start3A_320, %dma_start3A_321] : memref<4x6x64x64x176xf32, #tpu.memory_space<hbm>> -> memref<1x1x1x64x176xf32, #tpu.memory_space<hbm>>
        %dma_start3A_323 = tpu.memref_squeeze %dma_start3A_322 : memref<1x1x1x64x176xf32, #tpu.memory_space<hbm>> -> memref<64x176xf32, #tpu.memory_space<hbm>>
        tpu.enqueue_dma source(%dma_start3A_323 : memref<64x176xf32, #tpu.memory_space<hbm>>) target(%dma_start3A_319 : memref<64x176xf32, #tpu.memory_space<vmem>>) target_semaphore(%arg21 : memref<!tpu.dma_semaphore, #tpu.memory_space<semaphore_mem>>)
        %dma_start3A_324 = arith.constant 1 : i32
        %dma_start3A_325 = arith.constant 64 : i32
        %dma_start3A_326 = arith.constant 0 : i32
        %dma_start3A_327 = tpu.memref_slice %arg8[%dma_start3A_325, %dma_start3A_326] : memref<384x176xf32, #tpu.memory_space<vmem>> -> memref<64x176xf32, #tpu.memory_space<vmem>>
        %dma_start3A_328 = arith.constant 0 : i32
        %dma_start3A_329 = arith.constant 0 : i32
        %dma_start3A_330 = tpu.memref_slice %arg2[%select_n3A_292, %dma_start3A_324, %select_n3A_308, %dma_start3A_328, %dma_start3A_329] : memref<4x6x64x64x176xf32, #tpu.memory_space<hbm>> -> memref<1x1x1x64x176xf32, #tpu.memory_space<hbm>>
        %dma_start3A_331 = tpu.memref_squeeze %dma_start3A_330 : memref<1x1x1x64x176xf32, #tpu.memory_space<hbm>> -> memref<64x176xf32, #tpu.memory_space<hbm>>
        %dma_start3A_332 = arith.constant 64 : i32
        %dma_start3A_333 = arith.constant 0 : i32
        %dma_start3A_334 = tpu.memref_slice %arg8[%dma_start3A_332, %dma_start3A_333] : memref<384x176xf32, #tpu.memory_space<vmem>> -> memref<64x176xf32, #tpu.memory_space<vmem>>
        %dma_start3A_335 = arith.constant 0 : i32
        %dma_start3A_336 = arith.constant 0 : i32
        %dma_start3A_337 = tpu.memref_slice %arg2[%select_n3A_292, %dma_start3A_324, %select_n3A_308, %dma_start3A_335, %dma_start3A_336] : memref<4x6x64x64x176xf32, #tpu.memory_space<hbm>> -> memref<1x1x1x64x176xf32, #tpu.memory_space<hbm>>
        %dma_start3A_338 = tpu.memref_squeeze %dma_start3A_337 : memref<1x1x1x64x176xf32, #tpu.memory_space<hbm>> -> memref<64x176xf32, #tpu.memory_space<hbm>>
        tpu.enqueue_dma source(%dma_start3A_338 : memref<64x176xf32, #tpu.memory_space<hbm>>) target(%dma_start3A_334 : memref<64x176xf32, #tpu.memory_space<vmem>>) target_semaphore(%arg21 : memref<!tpu.dma_semaphore, #tpu.memory_space<semaphore_mem>>)
        %dma_start3A_339 = arith.constant 2 : i32
        %dma_start3A_340 = arith.constant 128 : i32
        %dma_start3A_341 = arith.constant 0 : i32
        %dma_start3A_342 = tpu.memref_slice %arg8[%dma_start3A_340, %dma_start3A_341] : memref<384x176xf32, #tpu.memory_space<vmem>> -> memref<64x176xf32, #tpu.memory_space<vmem>>
        %dma_start3A_343 = arith.constant 0 : i32
        %dma_start3A_344 = arith.constant 0 : i32
        %dma_start3A_345 = tpu.memref_slice %arg2[%select_n3A_292, %dma_start3A_339, %select_n3A_308, %dma_start3A_343, %dma_start3A_344] : memref<4x6x64x64x176xf32, #tpu.memory_space<hbm>> -> memref<1x1x1x64x176xf32, #tpu.memory_space<hbm>>
        %dma_start3A_346 = tpu.memref_squeeze %dma_start3A_345 : memref<1x1x1x64x176xf32, #tpu.memory_space<hbm>> -> memref<64x176xf32, #tpu.memory_space<hbm>>
        %dma_start3A_347 = arith.constant 128 : i32
        %dma_start3A_348 = arith.constant 0 : i32
        %dma_start3A_349 = tpu.memref_slice %arg8[%dma_start3A_347, %dma_start3A_348] : memref<384x176xf32, #tpu.memory_space<vmem>> -> memref<64x176xf32, #tpu.memory_space<vmem>>
        %dma_start3A_350 = arith.constant 0 : i32
        %dma_start3A_351 = arith.constant 0 : i32
        %dma_start3A_352 = tpu.memref_slice %arg2[%select_n3A_292, %dma_start3A_339, %select_n3A_308, %dma_start3A_350, %dma_start3A_351] : memref<4x6x64x64x176xf32, #tpu.memory_space<hbm>> -> memref<1x1x1x64x176xf32, #tpu.memory_space<hbm>>
        %dma_start3A_353 = tpu.memref_squeeze %dma_start3A_352 : memref<1x1x1x64x176xf32, #tpu.memory_space<hbm>> -> memref<64x176xf32, #tpu.memory_space<hbm>>
        tpu.enqueue_dma source(%dma_start3A_353 : memref<64x176xf32, #tpu.memory_space<hbm>>) target(%dma_start3A_349 : memref<64x176xf32, #tpu.memory_space<vmem>>) target_semaphore(%arg21 : memref<!tpu.dma_semaphore, #tpu.memory_space<semaphore_mem>>)
        %dma_start3A_354 = arith.constant 3 : i32
        %dma_start3A_355 = arith.constant 192 : i32
        %dma_start3A_356 = arith.constant 0 : i32
        %dma_start3A_357 = tpu.memref_slice %arg8[%dma_start3A_355, %dma_start3A_356] : memref<384x176xf32, #tpu.memory_space<vmem>> -> memref<64x176xf32, #tpu.memory_space<vmem>>
        %dma_start3A_358 = arith.constant 0 : i32
        %dma_start3A_359 = arith.constant 0 : i32
        %dma_start3A_360 = tpu.memref_slice %arg2[%select_n3A_292, %dma_start3A_354, %select_n3A_308, %dma_start3A_358, %dma_start3A_359] : memref<4x6x64x64x176xf32, #tpu.memory_space<hbm>> -> memref<1x1x1x64x176xf32, #tpu.memory_space<hbm>>
        %dma_start3A_361 = tpu.memref_squeeze %dma_start3A_360 : memref<1x1x1x64x176xf32, #tpu.memory_space<hbm>> -> memref<64x176xf32, #tpu.memory_space<hbm>>
        %dma_start3A_362 = arith.constant 192 : i32
        %dma_start3A_363 = arith.constant 0 : i32
        %dma_start3A_364 = tpu.memref_slice %arg8[%dma_start3A_362, %dma_start3A_363] : memref<384x176xf32, #tpu.memory_space<vmem>> -> memref<64x176xf32, #tpu.memory_space<vmem>>
        %dma_start3A_365 = arith.constant 0 : i32
        %dma_start3A_366 = arith.constant 0 : i32
        %dma_start3A_367 = tpu.memref_slice %arg2[%select_n3A_292, %dma_start3A_354, %select_n3A_308, %dma_start3A_365, %dma_start3A_366] : memref<4x6x64x64x176xf32, #tpu.memory_space<hbm>> -> memref<1x1x1x64x176xf32, #tpu.memory_space<hbm>>
        %dma_start3A_368 = tpu.memref_squeeze %dma_start3A_367 : memref<1x1x1x64x176xf32, #tpu.memory_space<hbm>> -> memref<64x176xf32, #tpu.memory_space<hbm>>
        tpu.enqueue_dma source(%dma_start3A_368 : memref<64x176xf32, #tpu.memory_space<hbm>>) target(%dma_start3A_364 : memref<64x176xf32, #tpu.memory_space<vmem>>) target_semaphore(%arg21 : memref<!tpu.dma_semaphore, #tpu.memory_space<semaphore_mem>>)
        %dma_start3A_369 = arith.constant 4 : i32
        %dma_start3A_370 = arith.constant 256 : i32
        %dma_start3A_371 = arith.constant 0 : i32
        %dma_start3A_372 = tpu.memref_slice %arg8[%dma_start3A_370, %dma_start3A_371] : memref<384x176xf32, #tpu.memory_space<vmem>> -> memref<64x176xf32, #tpu.memory_space<vmem>>
        %dma_start3A_373 = arith.constant 0 : i32
        %dma_start3A_374 = arith.constant 0 : i32
        %dma_start3A_375 = tpu.memref_slice %arg2[%select_n3A_292, %dma_start3A_369, %select_n3A_308, %dma_start3A_373, %dma_start3A_374] : memref<4x6x64x64x176xf32, #tpu.memory_space<hbm>> -> memref<1x1x1x64x176xf32, #tpu.memory_space<hbm>>
        %dma_start3A_376 = tpu.memref_squeeze %dma_start3A_375 : memref<1x1x1x64x176xf32, #tpu.memory_space<hbm>> -> memref<64x176xf32, #tpu.memory_space<hbm>>
        %dma_start3A_377 = arith.constant 256 : i32
        %dma_start3A_378 = arith.constant 0 : i32
        %dma_start3A_379 = tpu.memref_slice %arg8[%dma_start3A_377, %dma_start3A_378] : memref<384x176xf32, #tpu.memory_space<vmem>> -> memref<64x176xf32, #tpu.memory_space<vmem>>
        %dma_start3A_380 = arith.constant 0 : i32
        %dma_start3A_381 = arith.constant 0 : i32
        %dma_start3A_382 = tpu.memref_slice %arg2[%select_n3A_292, %dma_start3A_369, %select_n3A_308, %dma_start3A_380, %dma_start3A_381] : memref<4x6x64x64x176xf32, #tpu.memory_space<hbm>> -> memref<1x1x1x64x176xf32, #tpu.memory_space<hbm>>
        %dma_start3A_383 = tpu.memref_squeeze %dma_start3A_382 : memref<1x1x1x64x176xf32, #tpu.memory_space<hbm>> -> memref<64x176xf32, #tpu.memory_space<hbm>>
        tpu.enqueue_dma source(%dma_start3A_383 : memref<64x176xf32, #tpu.memory_space<hbm>>) target(%dma_start3A_379 : memref<64x176xf32, #tpu.memory_space<vmem>>) target_semaphore(%arg21 : memref<!tpu.dma_semaphore, #tpu.memory_space<semaphore_mem>>)
        %dma_start3A_384 = arith.constant 5 : i32
        %dma_start3A_385 = arith.constant 320 : i32
        %dma_start3A_386 = arith.constant 0 : i32
        %dma_start3A_387 = tpu.memref_slice %arg8[%dma_start3A_385, %dma_start3A_386] : memref<384x176xf32, #tpu.memory_space<vmem>> -> memref<64x176xf32, #tpu.memory_space<vmem>>
        %dma_start3A_388 = arith.constant 0 : i32
        %dma_start3A_389 = arith.constant 0 : i32
        %dma_start3A_390 = tpu.memref_slice %arg2[%select_n3A_292, %dma_start3A_384, %select_n3A_308, %dma_start3A_388, %dma_start3A_389] : memref<4x6x64x64x176xf32, #tpu.memory_space<hbm>> -> memref<1x1x1x64x176xf32, #tpu.memory_space<hbm>>
        %dma_start3A_391 = tpu.memref_squeeze %dma_start3A_390 : memref<1x1x1x64x176xf32, #tpu.memory_space<hbm>> -> memref<64x176xf32, #tpu.memory_space<hbm>>
        %dma_start3A_392 = arith.constant 320 : i32
        %dma_start3A_393 = arith.constant 0 : i32
        %dma_start3A_394 = tpu.memref_slice %arg8[%dma_start3A_392, %dma_start3A_393] : memref<384x176xf32, #tpu.memory_space<vmem>> -> memref<64x176xf32, #tpu.memory_space<vmem>>
        %dma_start3A_395 = arith.constant 0 : i32
        %dma_start3A_396 = arith.constant 0 : i32
        %dma_start3A_397 = tpu.memref_slice %arg2[%select_n3A_292, %dma_start3A_384, %select_n3A_308, %dma_start3A_395, %dma_start3A_396] : memref<4x6x64x64x176xf32, #tpu.memory_space<hbm>> -> memref<1x1x1x64x176xf32, #tpu.memory_space<hbm>>
        %dma_start3A_398 = tpu.memref_squeeze %dma_start3A_397 : memref<1x1x1x64x176xf32, #tpu.memory_space<hbm>> -> memref<64x176xf32, #tpu.memory_space<hbm>>
        tpu.enqueue_dma source(%dma_start3A_398 : memref<64x176xf32, #tpu.memory_space<hbm>>) target(%dma_start3A_394 : memref<64x176xf32, #tpu.memory_space<vmem>>) target_semaphore(%arg21 : memref<!tpu.dma_semaphore, #tpu.memory_space<semaphore_mem>>)
      } else {
      }
      %dma_wait3A = arith.constant 0 : i32
      %dma_wait3A_146 = arith.constant 0 : i32
      %dma_wait3A_147 = arith.constant 0 : i32
      %dma_wait3A_148 = arith.constant 0 : i32
      %dma_wait3A_149 = arith.constant 0 : i32
      %dma_wait3A_150 = tpu.memref_slice %arg8[%dma_wait3A_148, %dma_wait3A_149] : memref<384x176xf32, #tpu.memory_space<vmem>> -> memref<64x176xf32, #tpu.memory_space<vmem>>
      %dma_wait3A_151 = arith.constant 0 : i32
      %dma_wait3A_152 = arith.constant 0 : i32
      %dma_wait3A_153 = tpu.memref_slice %arg2[%dma_wait3A, %dma_wait3A_146, %dma_wait3A_147, %dma_wait3A_151, %dma_wait3A_152] : memref<4x6x64x64x176xf32, #tpu.memory_space<hbm>> -> memref<1x1x1x64x176xf32, #tpu.memory_space<hbm>>
      %dma_wait3A_154 = tpu.memref_squeeze %dma_wait3A_153 : memref<1x1x1x64x176xf32, #tpu.memory_space<hbm>> -> memref<64x176xf32, #tpu.memory_space<hbm>>
      %dma_wait3A_155 = arith.constant 0 : i32
      %dma_wait3A_156 = arith.constant 0 : i32
      %dma_wait3A_157 = tpu.memref_slice %arg8[%dma_wait3A_155, %dma_wait3A_156] : memref<384x176xf32, #tpu.memory_space<vmem>> -> memref<64x176xf32, #tpu.memory_space<vmem>>
      %dma_wait3A_158 = arith.constant 0 : i32
      %dma_wait3A_159 = arith.constant 0 : i32
      %dma_wait3A_160 = tpu.memref_slice %arg2[%dma_wait3A, %dma_wait3A_146, %dma_wait3A_147, %dma_wait3A_158, %dma_wait3A_159] : memref<4x6x64x64x176xf32, #tpu.memory_space<hbm>> -> memref<1x1x1x64x176xf32, #tpu.memory_space<hbm>>
      %dma_wait3A_161 = tpu.memref_squeeze %dma_wait3A_160 : memref<1x1x1x64x176xf32, #tpu.memory_space<hbm>> -> memref<64x176xf32, #tpu.memory_space<hbm>>
      tpu.wait_dma2 semaphore(%arg21 : memref<!tpu.dma_semaphore, #tpu.memory_space<semaphore_mem>>) src(%dma_wait3A_161 : memref<64x176xf32, #tpu.memory_space<hbm>>) dst(%dma_wait3A_157 : memref<64x176xf32, #tpu.memory_space<vmem>>)
      %dma_wait3A_162 = arith.constant 0 : i32
      %dma_wait3A_163 = arith.constant 1 : i32
      %dma_wait3A_164 = arith.constant 0 : i32
      %dma_wait3A_165 = arith.constant 64 : i32
      %dma_wait3A_166 = arith.constant 0 : i32
      %dma_wait3A_167 = tpu.memref_slice %arg8[%dma_wait3A_165, %dma_wait3A_166] : memref<384x176xf32, #tpu.memory_space<vmem>> -> memref<64x176xf32, #tpu.memory_space<vmem>>
      %dma_wait3A_168 = arith.constant 0 : i32
      %dma_wait3A_169 = arith.constant 0 : i32
      %dma_wait3A_170 = tpu.memref_slice %arg2[%dma_wait3A_162, %dma_wait3A_163, %dma_wait3A_164, %dma_wait3A_168, %dma_wait3A_169] : memref<4x6x64x64x176xf32, #tpu.memory_space<hbm>> -> memref<1x1x1x64x176xf32, #tpu.memory_space<hbm>>
      %dma_wait3A_171 = tpu.memref_squeeze %dma_wait3A_170 : memref<1x1x1x64x176xf32, #tpu.memory_space<hbm>> -> memref<64x176xf32, #tpu.memory_space<hbm>>
      %dma_wait3A_172 = arith.constant 64 : i32
      %dma_wait3A_173 = arith.constant 0 : i32
      %dma_wait3A_174 = tpu.memref_slice %arg8[%dma_wait3A_172, %dma_wait3A_173] : memref<384x176xf32, #tpu.memory_space<vmem>> -> memref<64x176xf32, #tpu.memory_space<vmem>>
      %dma_wait3A_175 = arith.constant 0 : i32
      %dma_wait3A_176 = arith.constant 0 : i32
      %dma_wait3A_177 = tpu.memref_slice %arg2[%dma_wait3A_162, %dma_wait3A_163, %dma_wait3A_164, %dma_wait3A_175, %dma_wait3A_176] : memref<4x6x64x64x176xf32, #tpu.memory_space<hbm>> -> memref<1x1x1x64x176xf32, #tpu.memory_space<hbm>>
      %dma_wait3A_178 = tpu.memref_squeeze %dma_wait3A_177 : memref<1x1x1x64x176xf32, #tpu.memory_space<hbm>> -> memref<64x176xf32, #tpu.memory_space<hbm>>
      tpu.wait_dma2 semaphore(%arg21 : memref<!tpu.dma_semaphore, #tpu.memory_space<semaphore_mem>>) src(%dma_wait3A_178 : memref<64x176xf32, #tpu.memory_space<hbm>>) dst(%dma_wait3A_174 : memref<64x176xf32, #tpu.memory_space<vmem>>)
      %dma_wait3A_179 = arith.constant 0 : i32
      %dma_wait3A_180 = arith.constant 2 : i32
      %dma_wait3A_181 = arith.constant 0 : i32
      %dma_wait3A_182 = arith.constant 128 : i32
      %dma_wait3A_183 = arith.constant 0 : i32
      %dma_wait3A_184 = tpu.memref_slice %arg8[%dma_wait3A_182, %dma_wait3A_183] : memref<384x176xf32, #tpu.memory_space<vmem>> -> memref<64x176xf32, #tpu.memory_space<vmem>>
      %dma_wait3A_185 = arith.constant 0 : i32
      %dma_wait3A_186 = arith.constant 0 : i32
      %dma_wait3A_187 = tpu.memref_slice %arg2[%dma_wait3A_179, %dma_wait3A_180, %dma_wait3A_181, %dma_wait3A_185, %dma_wait3A_186] : memref<4x6x64x64x176xf32, #tpu.memory_space<hbm>> -> memref<1x1x1x64x176xf32, #tpu.memory_space<hbm>>
      %dma_wait3A_188 = tpu.memref_squeeze %dma_wait3A_187 : memref<1x1x1x64x176xf32, #tpu.memory_space<hbm>> -> memref<64x176xf32, #tpu.memory_space<hbm>>
      %dma_wait3A_189 = arith.constant 128 : i32
      %dma_wait3A_190 = arith.constant 0 : i32
      %dma_wait3A_191 = tpu.memref_slice %arg8[%dma_wait3A_189, %dma_wait3A_190] : memref<384x176xf32, #tpu.memory_space<vmem>> -> memref<64x176xf32, #tpu.memory_space<vmem>>
      %dma_wait3A_192 = arith.constant 0 : i32
      %dma_wait3A_193 = arith.constant 0 : i32
      %dma_wait3A_194 = tpu.memref_slice %arg2[%dma_wait3A_179, %dma_wait3A_180, %dma_wait3A_181, %dma_wait3A_192, %dma_wait3A_193] : memref<4x6x64x64x176xf32, #tpu.memory_space<hbm>> -> memref<1x1x1x64x176xf32, #tpu.memory_space<hbm>>
      %dma_wait3A_195 = tpu.memref_squeeze %dma_wait3A_194 : memref<1x1x1x64x176xf32, #tpu.memory_space<hbm>> -> memref<64x176xf32, #tpu.memory_space<hbm>>
      tpu.wait_dma2 semaphore(%arg21 : memref<!tpu.dma_semaphore, #tpu.memory_space<semaphore_mem>>) src(%dma_wait3A_195 : memref<64x176xf32, #tpu.memory_space<hbm>>) dst(%dma_wait3A_191 : memref<64x176xf32, #tpu.memory_space<vmem>>)
      %dma_wait3A_196 = arith.constant 0 : i32
      %dma_wait3A_197 = arith.constant 3 : i32
      %dma_wait3A_198 = arith.constant 0 : i32
      %dma_wait3A_199 = arith.constant 192 : i32
      %dma_wait3A_200 = arith.constant 0 : i32
      %dma_wait3A_201 = tpu.memref_slice %arg8[%dma_wait3A_199, %dma_wait3A_200] : memref<384x176xf32, #tpu.memory_space<vmem>> -> memref<64x176xf32, #tpu.memory_space<vmem>>
      %dma_wait3A_202 = arith.constant 0 : i32
      %dma_wait3A_203 = arith.constant 0 : i32
      %dma_wait3A_204 = tpu.memref_slice %arg2[%dma_wait3A_196, %dma_wait3A_197, %dma_wait3A_198, %dma_wait3A_202, %dma_wait3A_203] : memref<4x6x64x64x176xf32, #tpu.memory_space<hbm>> -> memref<1x1x1x64x176xf32, #tpu.memory_space<hbm>>
      %dma_wait3A_205 = tpu.memref_squeeze %dma_wait3A_204 : memref<1x1x1x64x176xf32, #tpu.memory_space<hbm>> -> memref<64x176xf32, #tpu.memory_space<hbm>>
      %dma_wait3A_206 = arith.constant 192 : i32
      %dma_wait3A_207 = arith.constant 0 : i32
      %dma_wait3A_208 = tpu.memref_slice %arg8[%dma_wait3A_206, %dma_wait3A_207] : memref<384x176xf32, #tpu.memory_space<vmem>> -> memref<64x176xf32, #tpu.memory_space<vmem>>
      %dma_wait3A_209 = arith.constant 0 : i32
      %dma_wait3A_210 = arith.constant 0 : i32
      %dma_wait3A_211 = tpu.memref_slice %arg2[%dma_wait3A_196, %dma_wait3A_197, %dma_wait3A_198, %dma_wait3A_209, %dma_wait3A_210] : memref<4x6x64x64x176xf32, #tpu.memory_space<hbm>> -> memref<1x1x1x64x176xf32, #tpu.memory_space<hbm>>
      %dma_wait3A_212 = tpu.memref_squeeze %dma_wait3A_211 : memref<1x1x1x64x176xf32, #tpu.memory_space<hbm>> -> memref<64x176xf32, #tpu.memory_space<hbm>>
      tpu.wait_dma2 semaphore(%arg21 : memref<!tpu.dma_semaphore, #tpu.memory_space<semaphore_mem>>) src(%dma_wait3A_212 : memref<64x176xf32, #tpu.memory_space<hbm>>) dst(%dma_wait3A_208 : memref<64x176xf32, #tpu.memory_space<vmem>>)
      %dma_wait3A_213 = arith.constant 0 : i32
      %dma_wait3A_214 = arith.constant 4 : i32
      %dma_wait3A_215 = arith.constant 0 : i32
      %dma_wait3A_216 = arith.constant 256 : i32
      %dma_wait3A_217 = arith.constant 0 : i32
      %dma_wait3A_218 = tpu.memref_slice %arg8[%dma_wait3A_216, %dma_wait3A_217] : memref<384x176xf32, #tpu.memory_space<vmem>> -> memref<64x176xf32, #tpu.memory_space<vmem>>
      %dma_wait3A_219 = arith.constant 0 : i32
      %dma_wait3A_220 = arith.constant 0 : i32
      %dma_wait3A_221 = tpu.memref_slice %arg2[%dma_wait3A_213, %dma_wait3A_214, %dma_wait3A_215, %dma_wait3A_219, %dma_wait3A_220] : memref<4x6x64x64x176xf32, #tpu.memory_space<hbm>> -> memref<1x1x1x64x176xf32, #tpu.memory_space<hbm>>
      %dma_wait3A_222 = tpu.memref_squeeze %dma_wait3A_221 : memref<1x1x1x64x176xf32, #tpu.memory_space<hbm>> -> memref<64x176xf32, #tpu.memory_space<hbm>>
      %dma_wait3A_223 = arith.constant 256 : i32
      %dma_wait3A_224 = arith.constant 0 : i32
      %dma_wait3A_225 = tpu.memref_slice %arg8[%dma_wait3A_223, %dma_wait3A_224] : memref<384x176xf32, #tpu.memory_space<vmem>> -> memref<64x176xf32, #tpu.memory_space<vmem>>
      %dma_wait3A_226 = arith.constant 0 : i32
      %dma_wait3A_227 = arith.constant 0 : i32
      %dma_wait3A_228 = tpu.memref_slice %arg2[%dma_wait3A_213, %dma_wait3A_214, %dma_wait3A_215, %dma_wait3A_226, %dma_wait3A_227] : memref<4x6x64x64x176xf32, #tpu.memory_space<hbm>> -> memref<1x1x1x64x176xf32, #tpu.memory_space<hbm>>
      %dma_wait3A_229 = tpu.memref_squeeze %dma_wait3A_228 : memref<1x1x1x64x176xf32, #tpu.memory_space<hbm>> -> memref<64x176xf32, #tpu.memory_space<hbm>>
      tpu.wait_dma2 semaphore(%arg21 : memref<!tpu.dma_semaphore, #tpu.memory_space<semaphore_mem>>) src(%dma_wait3A_229 : memref<64x176xf32, #tpu.memory_space<hbm>>) dst(%dma_wait3A_225 : memref<64x176xf32, #tpu.memory_space<vmem>>)
      %dma_wait3A_230 = arith.constant 0 : i32
      %dma_wait3A_231 = arith.constant 5 : i32
      %dma_wait3A_232 = arith.constant 0 : i32
      %dma_wait3A_233 = arith.constant 320 : i32
      %dma_wait3A_234 = arith.constant 0 : i32
      %dma_wait3A_235 = tpu.memref_slice %arg8[%dma_wait3A_233, %dma_wait3A_234] : memref<384x176xf32, #tpu.memory_space<vmem>> -> memref<64x176xf32, #tpu.memory_space<vmem>>
      %dma_wait3A_236 = arith.constant 0 : i32
      %dma_wait3A_237 = arith.constant 0 : i32
      %dma_wait3A_238 = tpu.memref_slice %arg2[%dma_wait3A_230, %dma_wait3A_231, %dma_wait3A_232, %dma_wait3A_236, %dma_wait3A_237] : memref<4x6x64x64x176xf32, #tpu.memory_space<hbm>> -> memref<1x1x1x64x176xf32, #tpu.memory_space<hbm>>
      %dma_wait3A_239 = tpu.memref_squeeze %dma_wait3A_238 : memref<1x1x1x64x176xf32, #tpu.memory_space<hbm>> -> memref<64x176xf32, #tpu.memory_space<hbm>>
      %dma_wait3A_240 = arith.constant 320 : i32
      %dma_wait3A_241 = arith.constant 0 : i32
      %dma_wait3A_242 = tpu.memref_slice %arg8[%dma_wait3A_240, %dma_wait3A_241] : memref<384x176xf32, #tpu.memory_space<vmem>> -> memref<64x176xf32, #tpu.memory_space<vmem>>
      %dma_wait3A_243 = arith.constant 0 : i32
      %dma_wait3A_244 = arith.constant 0 : i32
      %dma_wait3A_245 = tpu.memref_slice %arg2[%dma_wait3A_230, %dma_wait3A_231, %dma_wait3A_232, %dma_wait3A_243, %dma_wait3A_244] : memref<4x6x64x64x176xf32, #tpu.memory_space<hbm>> -> memref<1x1x1x64x176xf32, #tpu.memory_space<hbm>>
      %dma_wait3A_246 = tpu.memref_squeeze %dma_wait3A_245 : memref<1x1x1x64x176xf32, #tpu.memory_space<hbm>> -> memref<64x176xf32, #tpu.memory_space<hbm>>
      tpu.wait_dma2 semaphore(%arg21 : memref<!tpu.dma_semaphore, #tpu.memory_space<semaphore_mem>>) src(%dma_wait3A_246 : memref<64x176xf32, #tpu.memory_space<hbm>>) dst(%dma_wait3A_242 : memref<64x176xf32, #tpu.memory_space<vmem>>)
      %dma_start3A_247 = arith.constant 0 : i32
      %dma_start3A_248 = tpu.memref_slice %arg7[%dma_start3A_247] : memref<204800xi32, #tpu.memory_space<vmem_shared>> -> memref<2560xi32, #tpu.memory_space<vmem_shared>>
      %dma_start3A_249 = arith.constant 0 : i32
      %dma_start3A_250 = tpu.memref_slice %arg7[%dma_start3A_249] : memref<204800xi32, #tpu.memory_space<vmem_shared>> -> memref<2560xi32, #tpu.memory_space<vmem_shared>>
      tpu.enqueue_dma source(%dma_start3A_250 : memref<2560xi32, #tpu.memory_space<vmem_shared>>) target(%arg9 : memref<2560xi32, #tpu.memory_space<vmem>>) target_semaphore(%arg22 : memref<!tpu.dma_semaphore, #tpu.memory_space<semaphore_mem>>)
      %dma_start3A_251 = arith.constant 2560 : i32
      %dma_start3A_252 = tpu.memref_slice %arg7[%dma_start3A_251] : memref<204800xi32, #tpu.memory_space<vmem_shared>> -> memref<2560xi32, #tpu.memory_space<vmem_shared>>
      %dma_start3A_253 = arith.constant 2560 : i32
      %dma_start3A_254 = tpu.memref_slice %arg7[%dma_start3A_253] : memref<204800xi32, #tpu.memory_space<vmem_shared>> -> memref<2560xi32, #tpu.memory_space<vmem_shared>>
      tpu.enqueue_dma source(%dma_start3A_254 : memref<2560xi32, #tpu.memory_space<vmem_shared>>) target(%arg10 : memref<2560xi32, #tpu.memory_space<vmem>>) target_semaphore(%arg23 : memref<!tpu.dma_semaphore, #tpu.memory_space<semaphore_mem>>)
      %scan3A_255 = arith.constant 0 : i32
      %scan3A_256 = arith.constant 0 : i32
      %scan3A_257 = arith.constant 40 : i32
      %scan3A_258 = arith.addi %scan3A_256, %scan3A_257 : i32
      %scan3A_259 = arith.constant 1 : i32
      scf.for %scan3A_269 = %scan3A_256 to %scan3A_258 step %scan3A_259  : i32 {
        %mul3A_270 = arith.constant 2 : i32
        %mul3A_271 = arith.muli %scan3A_269, %mul3A_270 : i32
        %add3A_272 = arith.constant 0 : i32
        %add3A_273 = arith.addi %mul3A_271, %add3A_272 : i32
        %mul3A_274 = arith.constant 2560 : i32
        %mul3A_275 = arith.muli %add3A_273, %mul3A_274 : i32
        %dma_wait3A_276 = tpu.memref_slice %arg7[%mul3A_275] : memref<204800xi32, #tpu.memory_space<vmem_shared>> -> memref<2560xi32, #tpu.memory_space<vmem_shared>>
        %dma_wait3A_277 = tpu.memref_slice %arg7[%mul3A_275] : memref<204800xi32, #tpu.memory_space<vmem_shared>> -> memref<2560xi32, #tpu.memory_space<vmem_shared>>
        tpu.wait_dma2 semaphore(%arg22 : memref<!tpu.dma_semaphore, #tpu.memory_space<semaphore_mem>>) src(%dma_wait3A_277 : memref<2560xi32, #tpu.memory_space<vmem_shared>>) dst(%arg9 : memref<2560xi32, #tpu.memory_space<vmem>>)
        %ge3A = arith.constant 2 : i32
        %ge3A_278 = arith.cmpi sge, %add3A_273, %ge3A : i32
        %convert_element_type3A_279 = arith.extui %ge3A_278 : i1 to i32
        %cond3A_280 = arith.constant 0 : i32
        %cond3A_281 = arith.cmpi ne, %convert_element_type3A_279, %cond3A_280 : i32
        scf.if %cond3A_281 {
          %sub3A_322 = arith.constant 2 : i32
          %sub3A_323 = arith.subi %add3A_273, %sub3A_322 : i32
          %mul3A_324 = arith.constant 2560 : i32
          %mul3A_325 = arith.muli %sub3A_323, %mul3A_324 : i32
          %add3A_326 = arith.addi %mul3A_141, %mul3A_325 : i32
          %dma_wait3A_327 = tpu.memref_slice %arg6[%add3A_326] : memref<52428800xf32, #tpu.memory_space<hbm>> -> memref<2560xf32, #tpu.memory_space<hbm>>
          %dma_wait3A_328 = tpu.memref_slice %arg6[%add3A_326] : memref<52428800xf32, #tpu.memory_space<hbm>> -> memref<2560xf32, #tpu.memory_space<hbm>>
          tpu.wait_dma2 semaphore(%arg24 : memref<!tpu.dma_semaphore, #tpu.memory_space<semaphore_mem>>) src(%arg11 : memref<2560xf32, #tpu.memory_space<vmem>>) dst(%dma_wait3A_328 : memref<2560xf32, #tpu.memory_space<hbm>>)
        } else {
        }
        %parallel_loop3A = arith.constant 0 : i32
        %parallel_loop3A_282 = arith.constant 2560 : i32
        %parallel_loop3A_283 = arith.constant 16 : i32
        scf.for %parallel_loop3A_322 = %parallel_loop3A to %parallel_loop3A_282 step %parallel_loop3A_283  : i32 {
          %parallel_loop3A_323 = arith.index_cast %parallel_loop3A_322 : i32 to index
          %parallel_loop3A_324 = tpu.vector_load %arg9[%parallel_loop3A_323] {strides = array<i32>} : memref<2560xi32, #tpu.memory_space<vmem>>, vector<16xi32>,
          %parallel_loop3A_325 = arith.constant 8 : i32
          %parallel_loop3A_326 = vector.broadcast %parallel_loop3A_325 : i32 to vector<16xi32>
          %parallel_loop3A_327 = arith.shrui %parallel_loop3A_324, %parallel_loop3A_326 : vector<16xi32>
          %parallel_loop3A_328 = arith.constant 255 : i32
          %parallel_loop3A_329 = vector.broadcast %parallel_loop3A_328 : i32 to vector<16xi32>
          %parallel_loop3A_330 = arith.andi %parallel_loop3A_324, %parallel_loop3A_329 : vector<16xi32>
          %parallel_loop3A_331 = tpu.vector_load_idx %arg8[%parallel_loop3A_327, %parallel_loop3A_330] : memref<384x176xf32, #tpu.memory_space<vmem>>[vector<16xi32>, vector<16xi32>], vector<16xf32>,
          %parallel_loop3A_332 = arith.index_cast %parallel_loop3A_322 : i32 to index
          %parallel_loop3A_333 = tpu.vector_load %arg11[%parallel_loop3A_332] {strides = array<i32>} : memref<2560xf32, #tpu.memory_space<vmem>>, vector<16xf32>,
          tpu.vector_store %arg11[%parallel_loop3A_332], %parallel_loop3A_331 {strides = array<i32>} : memref<2560xf32, #tpu.memory_space<vmem>>, vector<16xf32>,
        } {sc.loop_unroll_factor = 8 : i64, sc.parallel_access}
        %mul3A_284 = arith.constant 2560 : i32
        %mul3A_285 = arith.muli %add3A_273, %mul3A_284 : i32
        %add3A_286 = arith.addi %mul3A_141, %mul3A_285 : i32
        %dma_start3A_287 = tpu.memref_slice %arg6[%add3A_286] : memref<52428800xf32, #tpu.memory_space<hbm>> -> memref<2560xf32, #tpu.memory_space<hbm>>
        %dma_start3A_288 = tpu.memref_slice %arg6[%add3A_286] : memref<52428800xf32, #tpu.memory_space<hbm>> -> memref<2560xf32, #tpu.memory_space<hbm>>
        tpu.enqueue_dma source(%arg11 : memref<2560xf32, #tpu.memory_space<vmem>>) target(%dma_start3A_288 : memref<2560xf32, #tpu.memory_space<hbm>>) target_semaphore(%arg24 : memref<!tpu.dma_semaphore, #tpu.memory_space<semaphore_mem>>)
        %add3A_289 = arith.constant 2 : i32
        %add3A_290 = arith.addi %add3A_273, %add3A_289 : i32
        %lt3A_291 = arith.constant 80 : i32
        %lt3A_292 = arith.cmpi slt, %add3A_290, %lt3A_291 : i32
        %convert_element_type3A_293 = arith.extui %lt3A_292 : i1 to i32
        %cond3A_294 = arith.constant 0 : i32
        %cond3A_295 = arith.cmpi ne, %convert_element_type3A_293, %cond3A_294 : i32
        scf.if %cond3A_295 {
          %add3A_322 = arith.constant 2 : i32
          %add3A_323 = arith.addi %add3A_273, %add3A_322 : i32
          %mul3A_324 = arith.constant 2560 : i32
          %mul3A_325 = arith.muli %add3A_323, %mul3A_324 : i32
          %dma_start3A_326 = tpu.memref_slice %arg7[%mul3A_325] : memref<204800xi32, #tpu.memory_space<vmem_shared>> -> memref<2560xi32, #tpu.memory_space<vmem_shared>>
          %dma_start3A_327 = tpu.memref_slice %arg7[%mul3A_325] : memref<204800xi32, #tpu.memory_space<vmem_shared>> -> memref<2560xi32, #tpu.memory_space<vmem_shared>>
          tpu.enqueue_dma source(%dma_start3A_327 : memref<2560xi32, #tpu.memory_space<vmem_shared>>) target(%arg9 : memref<2560xi32, #tpu.memory_space<vmem>>) target_semaphore(%arg22 : memref<!tpu.dma_semaphore, #tpu.memory_space<semaphore_mem>>)
        } else {
        }
        %add3A_296 = arith.constant 1 : i32
        %add3A_297 = arith.addi %mul3A_271, %add3A_296 : i32
        %mul3A_298 = arith.constant 2560 : i32
        %mul3A_299 = arith.muli %add3A_297, %mul3A_298 : i32
        %dma_wait3A_300 = tpu.memref_slice %arg7[%mul3A_299] : memref<204800xi32, #tpu.memory_space<vmem_shared>> -> memref<2560xi32, #tpu.memory_space<vmem_shared>>
        %dma_wait3A_301 = tpu.memref_slice %arg7[%mul3A_299] : memref<204800xi32, #tpu.memory_space<vmem_shared>> -> memref<2560xi32, #tpu.memory_space<vmem_shared>>
        tpu.wait_dma2 semaphore(%arg23 : memref<!tpu.dma_semaphore, #tpu.memory_space<semaphore_mem>>) src(%dma_wait3A_301 : memref<2560xi32, #tpu.memory_space<vmem_shared>>) dst(%arg10 : memref<2560xi32, #tpu.memory_space<vmem>>)
        %ge3A_302 = arith.constant 2 : i32
        %ge3A_303 = arith.cmpi sge, %add3A_297, %ge3A_302 : i32
        %convert_element_type3A_304 = arith.extui %ge3A_303 : i1 to i32
        %cond3A_305 = arith.constant 0 : i32
        %cond3A_306 = arith.cmpi ne, %convert_element_type3A_304, %cond3A_305 : i32
        scf.if %cond3A_306 {
          %sub3A_322 = arith.constant 2 : i32
          %sub3A_323 = arith.subi %add3A_297, %sub3A_322 : i32
          %mul3A_324 = arith.constant 2560 : i32
          %mul3A_325 = arith.muli %sub3A_323, %mul3A_324 : i32
          %add3A_326 = arith.addi %mul3A_141, %mul3A_325 : i32
          %dma_wait3A_327 = tpu.memref_slice %arg6[%add3A_326] : memref<52428800xf32, #tpu.memory_space<hbm>> -> memref<2560xf32, #tpu.memory_space<hbm>>
          %dma_wait3A_328 = tpu.memref_slice %arg6[%add3A_326] : memref<52428800xf32, #tpu.memory_space<hbm>> -> memref<2560xf32, #tpu.memory_space<hbm>>
          tpu.wait_dma2 semaphore(%arg25 : memref<!tpu.dma_semaphore, #tpu.memory_space<semaphore_mem>>) src(%arg12 : memref<2560xf32, #tpu.memory_space<vmem>>) dst(%dma_wait3A_328 : memref<2560xf32, #tpu.memory_space<hbm>>)
        } else {
        }
        %parallel_loop3A_307 = arith.constant 0 : i32
        %parallel_loop3A_308 = arith.constant 2560 : i32
        %parallel_loop3A_309 = arith.constant 16 : i32
        scf.for %parallel_loop3A_322 = %parallel_loop3A_307 to %parallel_loop3A_308 step %parallel_loop3A_309  : i32 {
          %parallel_loop3A_323 = arith.index_cast %parallel_loop3A_322 : i32 to index
          %parallel_loop3A_324 = tpu.vector_load %arg10[%parallel_loop3A_323] {strides = array<i32>} : memref<2560xi32, #tpu.memory_space<vmem>>, vector<16xi32>,
          %parallel_loop3A_325 = arith.constant 8 : i32
          %parallel_loop3A_326 = vector.broadcast %parallel_loop3A_325 : i32 to vector<16xi32>
          %parallel_loop3A_327 = arith.shrui %parallel_loop3A_324, %parallel_loop3A_326 : vector<16xi32>
          %parallel_loop3A_328 = arith.constant 255 : i32
          %parallel_loop3A_329 = vector.broadcast %parallel_loop3A_328 : i32 to vector<16xi32>
          %parallel_loop3A_330 = arith.andi %parallel_loop3A_324, %parallel_loop3A_329 : vector<16xi32>
          %parallel_loop3A_331 = tpu.vector_load_idx %arg8[%parallel_loop3A_327, %parallel_loop3A_330] : memref<384x176xf32, #tpu.memory_space<vmem>>[vector<16xi32>, vector<16xi32>], vector<16xf32>,
          %parallel_loop3A_332 = arith.index_cast %parallel_loop3A_322 : i32 to index
          %parallel_loop3A_333 = tpu.vector_load %arg12[%parallel_loop3A_332] {strides = array<i32>} : memref<2560xf32, #tpu.memory_space<vmem>>, vector<16xf32>,
          tpu.vector_store %arg12[%parallel_loop3A_332], %parallel_loop3A_331 {strides = array<i32>} : memref<2560xf32, #tpu.memory_space<vmem>>, vector<16xf32>,
        } {sc.loop_unroll_factor = 8 : i64, sc.parallel_access}
        %mul3A_310 = arith.constant 2560 : i32
        %mul3A_311 = arith.muli %add3A_297, %mul3A_310 : i32
        %add3A_312 = arith.addi %mul3A_141, %mul3A_311 : i32
        %dma_start3A_313 = tpu.memref_slice %arg6[%add3A_312] : memref<52428800xf32, #tpu.memory_space<hbm>> -> memref<2560xf32, #tpu.memory_space<hbm>>
        %dma_start3A_314 = tpu.memref_slice %arg6[%add3A_312] : memref<52428800xf32, #tpu.memory_space<hbm>> -> memref<2560xf32, #tpu.memory_space<hbm>>
        tpu.enqueue_dma source(%arg12 : memref<2560xf32, #tpu.memory_space<vmem>>) target(%dma_start3A_314 : memref<2560xf32, #tpu.memory_space<hbm>>) target_semaphore(%arg25 : memref<!tpu.dma_semaphore, #tpu.memory_space<semaphore_mem>>)
        %add3A_315 = arith.constant 2 : i32
        %add3A_316 = arith.addi %add3A_297, %add3A_315 : i32
        %lt3A_317 = arith.constant 80 : i32
        %lt3A_318 = arith.cmpi slt, %add3A_316, %lt3A_317 : i32
        %convert_element_type3A_319 = arith.extui %lt3A_318 : i1 to i32
        %cond3A_320 = arith.constant 0 : i32
        %cond3A_321 = arith.cmpi ne, %convert_element_type3A_319, %cond3A_320 : i32
        scf.if %cond3A_321 {
          %add3A_322 = arith.constant 2 : i32
          %add3A_323 = arith.addi %add3A_297, %add3A_322 : i32
          %mul3A_324 = arith.constant 2560 : i32
          %mul3A_325 = arith.muli %add3A_323, %mul3A_324 : i32
          %dma_start3A_326 = tpu.memref_slice %arg7[%mul3A_325] : memref<204800xi32, #tpu.memory_space<vmem_shared>> -> memref<2560xi32, #tpu.memory_space<vmem_shared>>
          %dma_start3A_327 = tpu.memref_slice %arg7[%mul3A_325] : memref<204800xi32, #tpu.memory_space<vmem_shared>> -> memref<2560xi32, #tpu.memory_space<vmem_shared>>
          tpu.enqueue_dma source(%dma_start3A_327 : memref<2560xi32, #tpu.memory_space<vmem_shared>>) target(%arg10 : memref<2560xi32, #tpu.memory_space<vmem>>) target_semaphore(%arg23 : memref<!tpu.dma_semaphore, #tpu.memory_space<semaphore_mem>>)
        } else {
        }
      }
      %scan3A_260 = arith.constant 40 : i32
      %add3A_261 = arith.constant 199680 : i32
      %add3A_262 = arith.addi %mul3A_141, %add3A_261 : i32
      %dma_wait3A_263 = tpu.memref_slice %arg6[%add3A_262] : memref<52428800xf32, #tpu.memory_space<hbm>> -> memref<2560xf32, #tpu.memory_space<hbm>>
      %dma_wait3A_264 = tpu.memref_slice %arg6[%add3A_262] : memref<52428800xf32, #tpu.memory_space<hbm>> -> memref<2560xf32, #tpu.memory_space<hbm>>
      tpu.wait_dma2 semaphore(%arg24 : memref<!tpu.dma_semaphore, #tpu.memory_space<semaphore_mem>>) src(%arg11 : memref<2560xf32, #tpu.memory_space<vmem>>) dst(%dma_wait3A_264 : memref<2560xf32, #tpu.memory_space<hbm>>)
      %add3A_265 = arith.constant 202240 : i32
      %add3A_266 = arith.addi %mul3A_141, %add3A_265 : i32
      %dma_wait3A_267 = tpu.memref_slice %arg6[%add3A_266] : memref<52428800xf32, #tpu.memory_space<hbm>> -> memref<2560xf32, #tpu.memory_space<hbm>>
      %dma_wait3A_268 = tpu.memref_slice %arg6[%add3A_266] : memref<52428800xf32, #tpu.memory_space<hbm>> -> memref<2560xf32, #tpu.memory_space<hbm>>
      tpu.wait_dma2 semaphore(%arg25 : memref<!tpu.dma_semaphore, #tpu.memory_space<semaphore_mem>>) src(%arg12 : memref<2560xf32, #tpu.memory_space<vmem>>) dst(%dma_wait3A_268 : memref<2560xf32, #tpu.memory_space<hbm>>)
    }
    %scan3A_135 = arith.constant 8 : i32
    return
  }
}

</mosaic_0001>

<sc_bundles>
// kernel: kernel.3.cloned.1.call-start
scs
__scs_entry_jumppad:
0x0: {  	(pc) =	sbr.rel $0x88, $3  }
0x1: {  	(tag) =	ssettag $0x0;
	lr =	simm.s32 $0x1  }
0x2: {  	[smem:$0x3F9D] =	sst lr;
	_ =	strace $0xD0000000  }
0x3: {  	_ = 	snop  }
0x4: {  	_ = 	snop  }
0x5: {  	_ = 	snop  }
0x6: {  	_ = 	snop  }
0x7: {  	_ = 	snop  }
__scs_overlays_trampoline_lowered:
0x8: {  	[smem:$0x3FAC] =	sst s0  }
0x9: {  	[smem:$0x3FAD] =	sst s1  }
0xa: {  	[smem:$0x3FAE] =	sst s2  }
0xb: {  	[smem:$0x3FAF] =	sst s3  }
0xc: {  	[smem:$0x3FB0] =	sst s4  }
0xd: {  	[smem:$0x3FB1] =	sst s5  }
0xe: {  	[smem:$0x3FB2] =	sst s6  }
0xf: {  	[smem:$0x3FB3] =	sst s7  }
0x10: {  	[smem:$0x3FB4] =	sst s8  }
0x11: {  	[smem:$0x3FB5] =	sst s9;
	s0 =	simm.s32 @!p0 $0x0  }
0x12: {  	s1 =	sld [smem:$0x3F9B];
	s0 =	simm.s32 @p0 $0x1  }
0x13: {  	[smem:$0x3FB6] =	sst s0;
	s0 =	simm.s32 @!p1 $0x0  }
0x14: {  	s2 =	sld [smem:$0x3F9A];
	s0 =	simm.s32 @p1 $0x1  }
0x15: {  	[smem:$0x3FB7] =	sst s0;
	s0 =	simm.s32 @!p2 $0x0  }
0x16: {  	s3 =	sld [smem:$0x3FDB];
	s0 =	simm.s32 @p2 $0x1  }
0x17: {  	s4 =	simm.s32 $0x1BF5;
	[smem:$0x3FB9] =	sst s0  }
0x18: {  	s0 =	sld [smem:$0x3F9C];
	_ =	swait.ge [sflag:s4], $0x0  }
0x19: {  	s7 =	sld [smem:$0x3F9D]  }
0x1a: {  	s8 =	sadd.s32 $0xFFFFE003, lr  }
0x1b: {  	s9 =	sadd.s32 $0xFFFFFEF7, lr;
	s5 =	simm.s32 $0xFFFFFFFF;
	p2 =	slt.u32 s8, $0xFFFFF086  }
0x1c: {  	p1 =	slt.u32 s9, $0xF7A;
	s5 =	simm.s32 @!p2 $0x0  }
0x1d: {  	s5 =	simm.s32 @p1 $0x1;
	p0 =	seq.s32 s7, s2  }
0x1e: {  	s7 =	smul.u32 @!p0 $0xF7A, s2;
	p2 =	seq.s32 @!p0 s5, $0x0  }
0x1f: {  	s9 =	smul.u32 $0xF7A, s1;
	s8 =	simm.s32 @!p0 $0x1BF5;
	p2 =	por !p2, p0  }
0x20: {  	[sflag:s8] =	ssyncset.s32 @!p0 $0xFFFFF086;
	s6 =	sadd.s32 @!p0 s3, s7;
	s7 =	simm.s32 @!p0 $0x108  }
0x21: {  	s3 =	sadd.s32 s3, s9;
	s6 =	sadd.s32 @!p0 $0x88, s6;
	s7 =	simm.s32 @p2 $0x1082  }
0x22: {  	[simem:s7], [sflag:s8] =	dma.local @!p0 [hbm:s6], $0xF7A  }
0x23: {  	s9 =	sor.u32 $0xD0000000, s2;
	s6 =	simm.s32 $0x108;
	_ =	swait.ge @!p0 [sflag:s8], $0x0  }
0x24: {  	s3 =	sadd.s32 $0x88, s3;
	s6 =	simm.s32 @!p1 $0x1082;
	[sflag:s4] =	ssyncset.s32 $0xFFFFF086  }
0x25: {  	[simem:s6], [sflag:s4] =	dma.local [hbm:s3], $0xF7A  }
0x26: {  	[smem:$0x3F9D] =	sst s1;
	(tag) =	ssettag s2;
	_ =	strace s9  }
0x27: {  	s1 =	sld [smem:$0x3FAD]  }
0x28: {  	s2 =	sld [smem:$0x3FAE]  }
0x29: {  	s4 =	sld [smem:$0x3FB0]  }
0x2a: {  	p0 =	seq.s32 s5, $0x0;
	s5 =	sld [smem:$0x3FB1]  }
0x2b: {  	s6 =	sld [smem:$0x3FB2]  }
0x2c: {  	s7 =	sld [smem:$0x3FB3]  }
0x2d: {  	s3 =	simm.s32 $0x108;
	s8 =	sld [smem:$0x3FB4]  }
0x2e: {  	s3 =	simm.s32 @!p0 $0x1082;
	s9 =	sld [smem:$0x3FB5]  }
0x2f: {  	lr =	sadd.s32 s0, s3;
	s0 =	sld [smem:$0x3FAC]  }
0x30: {  	s3 =	sld [smem:$0x3FAF]  }
0x31: {  	[smem:$0x3FB8] =	sst s10  }
0x32: {  	s10 =	sld [smem:$0x3FB6];
	_ =	sdelay $0x3  }
0x33: {  	p0 =	seq.s32 s10, $0x1;
	s10 =	sld [smem:$0x3FB8];
	_ =	sdelay $0x3  }
0x34: {  	[smem:$0x3FB8] =	sst s10  }
0x35: {  	s10 =	sld [smem:$0x3FB7];
	_ =	sdelay $0x3  }
0x36: {  	p1 =	seq.s32 s10, $0x1;
	s10 =	sld [smem:$0x3FB8];
	_ =	sdelay $0x3  }
0x37: {  	[smem:$0x3FB8] =	sst s10  }
0x38: {  	s10 =	sld [smem:$0x3FB9]  }
0x39: {  	_ = 	snop;
	(pc) =	sbr.ind lr, $3  }
0x3a: {  	_ = 	snop  }
0x3b: {  	_ = 	snop  }
0x3c: {  	p2 =	seq.s32 s10, $0x1;
	s10 =	sld [smem:$0x3FB8]  }
0x3d: {  	_ =	shalt  }
0x3e: {  	_ =	shalt  }
0x3f: {  	_ =	shalt  }
0x40: {  	_ =	shalt  }
0x41: {  	_ =	shalt  }
0x42: {  	_ =	shalt  }
0x43: {  	_ =	shalt  }
0x44: {  	_ =	shalt  }
0x45: {  	_ =	shalt  }
0x46: {  	_ =	shalt  }
0x47: {  	_ =	shalt  }
0x48: {  	_ =	shalt  }
0x49: {  	_ =	shalt  }
0x4a: {  	_ =	shalt  }
0x4b: {  	_ =	shalt  }
0x4c: {  	_ =	shalt  }
0x4d: {  	_ =	shalt  }
0x4e: {  	_ =	shalt  }
0x4f: {  	_ =	shalt  }
0x50: {  	_ =	shalt  }
0x51: {  	_ =	shalt  }
0x52: {  	_ =	shalt  }
0x53: {  	_ =	shalt  }
0x54: {  	_ =	shalt  }
0x55: {  	_ =	shalt  }
0x56: {  	_ =	shalt  }
0x57: {  	_ =	shalt  }
0x58: {  	_ =	shalt  }
0x59: {  	_ =	shalt  }
0x5a: {  	_ =	shalt  }
0x5b: {  	_ =	shalt  }
0x5c: {  	_ =	shalt  }
0x5d: {  	_ =	shalt  }
0x5e: {  	_ =	shalt  }
0x5f: {  	_ =	shalt  }
0x60: {  	_ =	shalt  }
0x61: {  	_ =	shalt  }
0x62: {  	_ =	shalt  }
0x63: {  	_ =	shalt  }
0x64: {  	_ =	shalt  }
0x65: {  	_ =	shalt  }
0x66: {  	_ =	shalt  }
0x67: {  	_ =	shalt  }
0x68: {  	_ =	shalt  }
0x69: {  	_ =	shalt  }
0x6a: {  	_ =	shalt  }
0x6b: {  	_ =	shalt  }
0x6c: {  	_ =	shalt  }
0x6d: {  	_ =	shalt  }
0x6e: {  	_ =	shalt  }
0x6f: {  	_ =	shalt  }
0x70: {  	_ =	shalt  }
0x71: {  	_ =	shalt  }
0x72: {  	_ =	shalt  }
0x73: {  	_ =	shalt  }
0x74: {  	_ =	shalt  }
0x75: {  	_ =	shalt  }
0x76: {  	_ =	shalt  }
0x77: {  	_ =	shalt  }
0x78: {  	_ =	shalt  }
0x79: {  	_ =	shalt  }
0x7a: {  	_ =	shalt  }
0x7b: {  	_ =	shalt  }
0x7c: {  	_ =	shalt  }
0x7d: {  	_ =	shalt  }
0x7e: {  	_ =	shalt  }
0x7f: {  	_ =	shalt  }
0x80: {  	_ =	shalt  }
0x81: {  	_ =	shalt  }
0x82: {  	_ =	shalt  }
0x83: {  	_ =	shalt  }
0x84: {  	_ =	shalt  }
0x85: {  	_ =	shalt  }
0x86: {  	_ =	shalt  }
0x87: {  	_ =	shalt  }
.Lfunc_end0:
.L_simem_size_0:
called_computation_lowered:
.L_overlay_start_0:
0x88: {  	s2 =	sld [smem:$0x3FD9]  }
0x89: {  	s3 =	sld [smem:$0x3FFE];
	_ =	sdelay $0x1  }
0x8a: {  	s1 =	srdreg.scid  }
0x8b: {  	s0 =	sand.u32 $0x1, s1  }
0x8c: {  	s18 =	sshll.u32 s0, $0xA;
	s2 =	sadd.s32 s3, s2  }
0x8d: {  	s2 =	sadd.s32 s2, s18  }
0x8e: {  	[smem:$0x3FC4] =	sst s2  }
0x8f: {  	_ = 	snop  }
0x90: {  	s2 =	sld [smem:$0x3FC9]  }
0x91: {  	s19 =	sld [smem:$0x3FC8]  }
0x92: {  	s4 =	sld [smem:$0x3FC7]  }
0x93: {  	s5 =	sld [smem:$0x3FC6]  }
0x94: {  	s6 =	sld [smem:$0x3FD0];
	(tm) =	ssettm $0x1  }
0x95: {  	s7 =	sld [smem:$0x3FFB];
	_ =	sdelay $0x3  }
0x96: {  	_ =	strace s7  }
0x97: {  	s7 =	sld [smem:$0x3FFC];
	_ =	sdelay $0x3  }
0x98: {  	_ =	strace s7  }
0x99: {  	s7 =	sld [smem:$0x3FFD];
	_ =	sdelay $0x3  }
0x9a: {  	_ =	strace s7  }
0x9b: {  	_ =	strace $0x8FFFFFFF  }
0x9c: {  	s20 =	sld [smem:$0x3FDB];
	_ =	sdelay $0x1  }
0x9d: {  	s8 =	simm.s32 $_scs_section_size  }
0x9e: {  	s9 =	simm.s32 $_size__tile_overlayer_lowered;
	s10 =	simm.s32 $_tile_overlayer_lowered  }
0x9f: {  	s23 =	simm.s32 $0x1BFF;
	s22 =	sshll.u32 s10, $0x1;
	s7 =	sadd.s32 s8, s20  }
0xa0: {  	s11 =	simm.s32 $0x0;
	s21 =	sshll.u32 s9, $0x1;
	s9 =	sadd.s32 s22, s7  }
0xa1: {  	[timem:s11], [sflag:s23] =	dma.local [hbm:s9], s21  }
0xa2: {  	_ =	swait.ge [sflag:s23], s21  }
0xa3: {  	s8 =	ssub.s32 $0x0, s21;
	[sflag:s23] =	ssyncset.done $0x0  }
0xa4: {  	[sflag:s23] =	ssyncadd.s32 s8;
	_ =	sdelay $0x1  }
0xa5: {  	s24 =	simm.s32 $0x1B8B  }
0xa6: {  	_ =	swait.ge [sflag:s24], $0x1  }
0xa7: {  	[sflag:s24] =	ssyncset.done $0x0  }
0xa8: {  	s25 =	simm.s32 $0x1B8E;
	[sflag:s24] =	ssyncadd.s32 $0xFFFFFFFF  }
0xa9: {  	s26 =	simm.s32 $execute0_lowered;
	[smem:$0x3FD2] =	sst s25  }
0xaa: {  	s8 =	sshll.u32 s26, $0x1;
	_ =	strace $0x80000046;
	[dreg:$0x1] =	wrdreg $0xFFFFFFFF  }
0xab: {  	s28 =	simm.s32 $_size_execute0_lowered;
	s7 =	sadd.s32 s7, s8;
	[dreg:$0x0] =	wrdreg $0x0  }
0xac: {  	s8 =	sshll.u32 s28, $0x1;
	[dreg:$0x2] =	wrdreg s7  }
0xad: {  	[dreg:$0x3] =	wrdreg s8  }
0xae: {  	[dreg:$0x4] =	wrdreg $0xC0  }
0xaf: {  	_ =	task [dreg:s11], $0x5FFFF  }
0xb0: {  	[dreg:$0x1] =	wrdreg $0xFFFFFFFF  }
0xb1: {  	[dreg:$0x0] =	wrdreg $0x60  }
0xb2: {  	[dreg:$0x2] =	wrdreg s2  }
0xb3: {  	[dreg:$0x3] =	wrdreg s19  }
0xb4: {  	[dreg:$0x4] =	wrdreg s4  }
0xb5: {  	[dreg:$0x5] =	wrdreg s5  }
0xb6: {  	[dreg:$0x6] =	wrdreg s6  }
0xb7: {  	[dreg:$0x7] =	wrdreg $0x0  }
0xb8: {  	[dreg:$0x8] =	wrdreg $0x9  }
0xb9: {  	_ =	task.clear_ibuf [dreg:s11], $0x9FFFF;
	_ =	strace $0x90000046  }
0xba: {  	s29 =	simm.s32 $0x9;
	_ =	strace $0x80000048  }
0xbb: {  	_ =	swait.ge [sflag:s29], $0x1  }
0xbc: {  	[sflag:s29] =	ssyncadd.s32 $0xFFFFFFFF  }
0xbd: {  	_ =	strace $0x90000048  }
0xbe: {  	_ =	sfence  }
0xbf: {  	s30 =	sld [smem:$0x0];
	_ =	sdelay $0x2  }
0xc0: {  	s31 =	sshll.u32 s1, $0xD;
	s1 =	sshrl.u32 s1, $0x2  }
0xc1: {  	s3 =	sand.u32 $0x4000, s31;
	s1 =	sadd.s32 s1, s30  }
0xc2: {  	s0 =	sor.u32 s3, s0;
	s1 =	sshll.u32 s1, $0x11  }
0xc3: {  	s0 =	sor.u32 s1, s0  }
0xc4: {  	s0 =	sadd.s32 $0x8F2B, s0  }
0xc5: {  	[sflag:s0] =	ssyncadd.remote.s32 $0x1  }
0xc6: {  	_ =	sfence.sel $0xFFFF  }
0xc7: {  	[dreg:$0x0] =	wrdreg $0xFFFFFFFF;
	(pc) =	sbr.abs _section_cstart, $3  }
0xc8: {  	[dreg:$0x1] =	wrdreg $0xFFFFFFFF  }
0xc9: {  	_ =	task.clear_ibuf [dreg:s11], $0x2FFFF;
	_ =	strace $0x9FFFFFFF  }
0xca: {  	(tm) =	ssettm $0x7FFFFFFF  }
0xcb: {  	_ =	shalt  }
tec
execute0_lowered:
.L_overlay_start_1:
0x0: {  	(tag) =	ssettag $0x1  }
0x1: {  	s29 =	rddreg [dreg:$0x0]  }
0x2: {  	s3 =	rddreg [dreg:$0x1]  }
0x3: {  	s4 =	rddreg [dreg:$0x2]  }
0x4: {  	s5 =	rddreg [dreg:$0x3];
	s0 =	srdreg.scid  }
0x5: {  	s6 =	rddreg [dreg:$0x4];
	s10 =	stileid.u32  }
0x6: {  	s7 =	rddreg [dreg:$0x5];
	s9 =	simm.s32 $0x0;
	s28 =	simm.s32 $0x1EF00  }
0x7: {  	s31 =	simm.s32 $0x3;
	s13 =	simm.s32 $0x1B200;
	s14 =	simm.s32 $0x1BC00  }
0x8: {  	s0 =	sand.u32 $0x1, s0;
	s1 =	sshll.u32 s10, $0x4;
	s16 =	sshrl.u32 s10, $0x2  }
0x9: {  	[smem:$0x7FF] =	sst s9;
	s22 =	sadd.s32 $0x20000, s29;
	s20 =	smul.u32 $0x64, s10  }
0xa: {  	s26 =	sor.u32 $0x20, s10;
	s2 =	sshll.u32 s0, $0x3;
	s11 =	smul.u32 $0x600000, s16  }
0xb: {  	s0 =	ssub.s32 $0x2, s0;
	_ =	strace $0x80000047;
	s30 =	sor.u32 s2, s1  }
0xc: {  	[dreg:$0x10] =	wrdreg s26;
	s18 =	sshrl.u32 s0, $0x1;
	s17 =	sshll.u32 s30, $0xE  }
0xd: {  	s24 =	sadd.s32 s3, s20;
	s25 =	sadd.s32 s5, s20;
	s1 =	sand.u32 $0xE0000, s17  }
0xe: {  	s0 =	ssub.s32 s0, s18;
	[dreg:$0xd] =	wrdreg s24;
	s1 =	sor.u32 s11, s1  }
0xf: {  	[dreg:$0xe] =	wrdreg s25;
	s0 =	smax.u32 s0, $0x1;
	s1 =	sshrl.u32 s1, $0x3  }
0x10: {  	[dreg:$0x11] =	wrdreg s0;
	s19 =	sadd.s32 s29, s1;
	s1 =	sadd.s32 s1, s22  }
0x11: {  	s15 =	simm.s32 $0x1C600;
	s26 =	simm.s32 $0x2;
	[dreg:$0x8] =	wrdreg s1  }
0x12: {  	s16 =	simm.s32 $0x5;
	s8 =	sadd.s32 $0x40000, s19;
	[dreg:$0x7] =	wrdreg s19  }
.Ltmp0:
0x13: {  	s21 =	sadd.s32 $0x60000, s19;
	[dreg:$0x9] =	wrdreg s8;
	(pc) =	sbr.rel .LBB2_1-.Ltmp0, $4  }
0x14: {  	v7 =	vlaneseq.u32;
	s18 =	sadd.s32 $0xA00, s7;
	s23 =	sadd.s32 $0x80000, s19;
	[dreg:$0xa] =	wrdreg s21  }
0x15: {  	v0 =	vmul.u32 $0x4, v7;
	v4 =	vor.u32 $0x40, v7;
	s24 =	simm.s32 $0x3200;
	s2 =	sadd.s32 $0xA0000, s19;
	[dreg:$0xb] =	wrdreg s23  }
0x16: {  	v5 =	vor.u32 $0x50, v7;
	v6 =	vor.u32 $0x60, v7;
	v7 =	vor.u32 $0x70, v7;
	s25 =	simm.s32 $0x1;
	s1 =	sadd.s32 s4, s20;
	[dreg:$0xc] =	wrdreg s2  }
0x17: {  	v1 =	vor.u32 $0x40, v0;
	v2 =	vor.u32 $0x80, v0;
	v3 =	vor.u32 $0xC0, v0;
	s17 =	simm.s32 $0x1D000;
	[dreg:$0xf] =	wrdreg s1;
	s1 =	simm.s32 $0x0  }
.LBB2_31:
0x18: {  	s1 =	rddreg [dreg:$0x12]  }
0x19: {  	s0 =	rddreg [dreg:$0x11];
	s1 =	sadd.s32 $0x1, s1  }
0x1a: {  	p0 =	sne.s32 s1, s0  }
.Ltmp1:
0x1b: {  	_ = 	snop;
	(pc) =	sbr.rel @!p0 .LBB2_32-.Ltmp1, $1  }
0x1c: {  	_ =	sdelay $0x3  }
.LBB2_1:
0x1d: {  	s0 =	rddreg [dreg:$0x7]  }
0x1e: {  	[tilespmem:s24], [sflag:$0x1] =	stream.linear.gather [hbm4b:s0+s9], $0x4000, $0x38;
	[tilespmem:$0x1F680] =	vst v63  }
0x1f: {  	s8 =	rddreg [dreg:$0x8];
	s12 =	simm.s32 $0x7200  }
0x20: {  	[tilespmem:s12], [sflag:$0x1] =	stream.linear.gather [hbm4b:s8+s9], $0x4000, $0x38;
	[tilespmem:$0x1F680] =	vst v63  }
0x21: {  	s19 =	rddreg [dreg:$0x9];
	s20 =	simm.s32 $0xB200  }
0x22: {  	[tilespmem:s20], [sflag:$0x1] =	stream.linear.gather [hbm4b:s19+s9], $0x4000, $0x38;
	[tilespmem:$0x1F680] =	vst v63  }
0x23: {  	s21 =	rddreg [dreg:$0xa];
	s23 =	simm.s32 $0xF200  }
0x24: {  	[tilespmem:s23], [sflag:$0x1] =	stream.linear.gather [hbm4b:s21+s9], $0x4000, $0x38;
	[tilespmem:$0x1F680] =	vst v63  }
0x25: {  	s2 =	rddreg [dreg:$0xb];
	s3 =	simm.s32 $0x13200  }
0x26: {  	[tilespmem:s3], [sflag:$0x1] =	stream.linear.gather [hbm4b:s2+s9], $0x4000, $0x38;
	[tilespmem:$0x1F680] =	vst v63  }
0x27: {  	s4 =	rddreg [dreg:$0xc];
	s5 =	simm.s32 $0x17200  }
0x28: {  	[tilespmem:s5], [sflag:$0x1] =	stream.linear.gather [hbm4b:s4+s9], $0x4000, $0x38;
	[tilespmem:$0x1F680] =	vst v63  }
0x29: {  	s8 =	rddreg [dreg:$0xd];
	s12 =	simm.s32 $0x1DA00  }
0x2a: {  	[tilespmem:s12], [sflag:$0x2] =	stream.linear.gather [hbm4b:s8+s9], $0x320, $0x38;
	[tilespmem:$0x1F680] =	vst v63  }
.Ltmp2:
0x2b: {  	[dreg:$0x12] =	wrdreg s1;
	(pc) =	sbr.rel .LBB2_2-.Ltmp2, $4  }
0x2c: {  	s19 =	rddreg [dreg:$0xe];
	s20 =	simm.s32 $0x1E100  }
0x2d: {  	[tilespmem:s20], [sflag:$0x2] =	stream.linear.gather [hbm4b:s19+s9], $0x320, $0x38;
	[tilespmem:$0x1F680] =	vst v63  }
0x2e: {  	s21 =	rddreg [dreg:$0xf];
	s23 =	simm.s32 $0x1DD80;
	s20 =	simm.s32 $0x0  }
0x2f: {  	[tilespmem:s23], [sflag:$0x2] =	stream.linear.gather [hbm4b:s21+s9], $0x320, $0x38;
	[tilespmem:$0x1F680] =	vst v63  }
.LBB2_17:
0x30: {  	s20 =	sadd.s32 $0x1, s20  }
0x31: {  	p0 =	sne.s32 s20, $0x7  }
.Ltmp3:
0x32: {  	_ = 	snop;
	(pc) =	sbr.rel @!p0 .LBB2_18-.Ltmp3, $1  }
0x33: {  	_ =	sdelay $0x3  }
.LBB2_2:
0x34: {  	s12 =	sshll.u32 s20, $0x5  }
0x35: {  	s19 =	sor.u32 s10, s12  }
0x36: {  	p0 =	slt.u32 s19, $0xC8  }
.Ltmp4:
0x37: {  	_ = 	snop;
	(pc) =	sbr.rel @!p0 .LBB2_17-.Ltmp4, $1  }
0x38: {  	_ =	sdelay $0x3  }
0x39: {  	s0 =	sor.u32 $0x10, s19  }
0x3a: {  	p0 =	sgt.u32 s0, $0xC7  }
0x3b: {  	[dreg:$0x13] =	wrdreg s0;
	s0 =	smul.u32 @!p0 $0x64, s0  }
0x3c: {  	s1 =	rddreg [dreg:$0x1]  }
0x3d: {  	s2 =	simm.s32 @!p0 $0x0;
	s3 =	simm.s32 @!p0 $0x1E480;
	s1 =	sadd.s32 @!p0 s1, s0  }
0x3e: {  	[tilespmem:s3], [sflag:$0x3] =	stream.linear.gather @!p0 [hbm4b:s1+s2], $0x320, $0x38;
	[tilespmem:$0x1F680] =	vst v63  }
0x3f: {  	s1 =	rddreg [dreg:$0x3]  }
0x40: {  	s3 =	simm.s32 @!p0 $0x1EB80;
	s1 =	sadd.s32 @!p0 s1, s0  }
0x41: {  	[tilespmem:s3], [sflag:$0x3] =	stream.linear.gather @!p0 [hbm4b:s1+s2], $0x320, $0x38;
	[tilespmem:$0x1F680] =	vst v63  }
0x42: {  	s1 =	rddreg [dreg:$0x2]  }
0x43: {  	s0 =	sadd.s32 @!p0 s1, s0;
	s1 =	simm.s32 @!p0 $0x1E800  }
0x44: {  	[tilespmem:s1], [sflag:$0x3] =	stream.linear.gather @!p0 [hbm4b:s0+s2], $0x320, $0x38;
	[tilespmem:$0x1F680] =	vst v63  }
0x45: {  	_ =	swait.ge [sflag:s26], $0x320  }
0x46: {  	[sflag:s26] =	ssyncset.done $0x0  }
0x47: {  	[sflag:s26] =	ssyncadd.s32 $0xFFFFFCE0  }
0x48: {  	_ =	swait.ge [sflag:s26], $0x320  }
0x49: {  	[sflag:s26] =	ssyncset.done $0x0  }
0x4a: {  	[sflag:s26] =	ssyncadd.s32 $0xFFFFFCE0  }
0x4b: {  	_ =	swait.ge [sflag:s26], $0x320  }
0x4c: {  	[sflag:s26] =	ssyncset.done $0x0  }
0x4d: {  	s8 =	simm.s32 $0x1DA40;
	[sflag:s26] =	ssyncadd.s32 $0xFFFFFCE0  }
0x4e: {  	s1 =	simm.s32 $0x1E140;
	v8 =	vld [tilespmem:s8+$0x30]  }
0x4f: {  	v9 =	vld [tilespmem:s1+$0x30]  }
0x50: {  	s21 =	simm.s32 $0x1DDC0;
	v11 =	vld [tilespmem:s1+$0xFFFFFFC0]  }
0x51: {  	v10 =	vld [tilespmem:s21+$0x30]  }
0x52: {  	v12 =	vld [tilespmem:s8+$0xFFFFFFD0]  }
0x53: {  	v13 =	vld [tilespmem:s1+$0xFFFFFFD0]  }
0x54: {  	v14 =	vld [tilespmem:s8+$0xFFFFFFE0]  }
0x55: {  	v15 =	vld [tilespmem:s1+$0xFFFFFFE0]  }
0x56: {  	v16 =	vld [tilespmem:s8+$0xFFFFFFF0]  }
0x57: {  	v17 =	vld [tilespmem:s1+$0xFFFFFFF0]  }
0x58: {  	v18 =	vld [tilespmem:s8+$0x0]  }
0x59: {  	v19 =	vld [tilespmem:s1+$0x0]  }
0x5a: {  	v20 =	vld [tilespmem:s8+$0x10]  }
0x5b: {  	v21 =	vld [tilespmem:s1+$0x10]  }
0x5c: {  	v22 =	vld [tilespmem:s8+$0x20];
	v8 =	vshll.u32 v8, $0xE;
	v9 =	vshll.u32 v9, $0x8  }
0x5d: {  	v23 =	vld [tilespmem:s1+$0x20];
	v8 =	vadd.s32 v8, v9  }
0x5e: {  	v25 =	vld [tilespmem:s8+$0xFFFFFFC0];
	v9 =	vshll.u32 v13, $0x8;
	v24 =	vadd.s32 v10, v8;
	v8 =	vshll.u32 v12, $0xE  }
0x5f: {  	v27 =	vld [tilespmem:s21+$0xFFFFFFC0];
	v26 =	vadd.s32 v8, v9;
	v8 =	vshll.u32 v14, $0xE;
	v9 =	vshll.u32 v15, $0x8  }
0x60: {  	v10 =	vshll.u32 v17, $0x8;
	v17 =	vld [tilespmem:s21+$0xFFFFFFD0];
	v8 =	vadd.s32 v8, v9;
	v9 =	vshll.u32 v16, $0xE  }
0x61: {  	s23 =	smov.u32 s18;
	v13 =	vshll.u32 v19, $0x8;
	v12 =	vld [tilespmem:s21+$0xFFFFFFE0];
	v9 =	vadd.s32 v9, v10;
	v10 =	vshll.u32 v18, $0xE  }
0x62: {  	s18 =	smov.u32 s22;
	s22 =	smov.u32 s11;
	s11 =	smov.u32 s30;
	v14 =	vshll.u32 v20, $0xE;
	v15 =	vshll.u32 v21, $0x8;
	v10 =	vadd.s32 v10, v13;
	v13 =	vld [tilespmem:s21+$0xFFFFFFF0]  }
0x63: {  	s10 =	smov.u32 s29;
	s30 =	simm.s32 $0x0;
	s4 =	simm.s32 $0x1DD00;
	v16 =	vshll.u32 v11, $0x8;
	v11 =	vadd.s32 v14, v15;
	v14 =	vshll.u32 v25, $0xE;
	v15 =	vld [tilespmem:s21+$0x0]  }
0x64: {  	s29 =	simm.s32 $0x2F0;
	s5 =	simm.s32 $0x1F200;
	s2 =	simm.s32 $0x1EF40;
	v19 =	vshll.u32 v23, $0x8;
	v18 =	vshll.u32 v22, $0xE;
	v20 =	vadd.s32 v14, v16;
	v16 =	vld [tilespmem:s21+$0x10]  }
0x65: {  	s3 =	simm.s32 $0x1E400;
	s0 =	simm.s32 $0x1E080;
	s8 =	simm.s32 $0x1DAC0;
	[tilespmem:s2+$0x30] =	vst v24;
	v14 =	vadd.s32 v18, v19;
	v19 =	vadd.s32 v27, v20;
	v18 =	vadd.s32 v17, v26;
	v17 =	vld [tilespmem:s21+$0x20]  }
.LBB2_4:
0x66: {  	v20 =	vld [tilespmem:s8+$0x30];
	[tilespmem:s2+$0xFFFFFFC0] =	vst v19;
	v8 =	vadd.s32 v12, v8;
	s1 =	sadd.s32 $0x80, s1  }
0x67: {  	s30 =	sadd.s32 $0x80, s30;
	v12 =	vld [tilespmem:s1+$0x30];
	[tilespmem:s2+$0xFFFFFFD0] =	vst v18;
	v9 =	vadd.s32 v13, v9  }
0x68: {  	s21 =	sadd.s32 $0x80, s21;
	p1 =	slt.u32 s30, $0x280;
	v13 =	vld [tilespmem:s1+$0xFFFFFFC0];
	[tilespmem:s2+$0xFFFFFFE0] =	vst v8;
	v8 =	vadd.s32 v15, v10  }
0x69: {  	v10 =	vld [tilespmem:s21+$0x30];
	[tilespmem:s2+$0xFFFFFFF0] =	vst v9;
	v9 =	vadd.s32 v16, v11  }
0x6a: {  	v11 =	vld [tilespmem:s8+$0xFFFFFFD0];
	[tilespmem:s2+$0x0] =	vst v8;
	v8 =	vadd.s32 v17, v14  }
0x6b: {  	v14 =	vld [tilespmem:s1+$0xFFFFFFD0];
	[tilespmem:s2+$0x10] =	vst v9  }
0x6c: {  	v15 =	vshll.u32 v20, $0xE;
	v9 =	vld [tilespmem:s8+$0xFFFFFFE0];
	v12 =	vshll.u32 v12, $0x8;
	[tilespmem:s2+$0x20] =	vst v8  }
0x6d: {  	v16 =	vshll.u32 v13, $0x8;
	v8 =	vld [tilespmem:s1+$0xFFFFFFE0];
	v12 =	vadd.s32 v15, v12  }
0x6e: {  	s2 =	sadd.s32 $0x80, s2;
	v13 =	vld [tilespmem:s8+$0xFFFFFFF0];
	v10 =	vadd.s32 v10, v12  }
0x6f: {  	v11 =	vshll.u32 v11, $0xE;
	v12 =	vld [tilespmem:s1+$0xFFFFFFF0];
	[tilespmem:s2+$0x30] =	vst v10  }
0x70: {  	v10 =	vshll.u32 v14, $0x8;
	v14 =	vld [tilespmem:s8+$0x0]  }
0x71: {  	v17 =	vadd.s32 v11, v10;
	v9 =	vshll.u32 v9, $0xE;
	v10 =	vld [tilespmem:s1+$0x0]  }
0x72: {  	v8 =	vshll.u32 v8, $0x8;
	v11 =	vld [tilespmem:s8+$0x10]  }
0x73: {  	v8 =	vadd.s32 v9, v8;
	v9 =	vshll.u32 v13, $0xE;
	v13 =	vld [tilespmem:s1+$0x10]  }
0x74: {  	v12 =	vshll.u32 v12, $0x8;
	v15 =	vld [tilespmem:s8+$0x20]  }
0x75: {  	v9 =	vadd.s32 v9, v12;
	v12 =	vshll.u32 v14, $0xE;
	v14 =	vld [tilespmem:s1+$0x20]  }
0x76: {  	v18 =	vld [tilespmem:s8+$0xFFFFFFC0];
	v10 =	vshll.u32 v10, $0x8  }
0x77: {  	v19 =	vld [tilespmem:s21+$0xFFFFFFC0];
	v10 =	vadd.s32 v12, v10;
	v11 =	vshll.u32 v11, $0xE  }
0x78: {  	v20 =	vld [tilespmem:s21+$0xFFFFFFD0];
	v13 =	vshll.u32 v13, $0x8  }
.Ltmp5:
0x79: {  	v12 =	vld [tilespmem:s21+$0xFFFFFFE0];
	v11 =	vadd.s32 v11, v13;
	v21 =	vshll.u32 v15, $0xE;
	(pc) =	sbr.rel @p1 .LBB2_4-.Ltmp5, $4  }
0x7a: {  	v13 =	vld [tilespmem:s21+$0xFFFFFFF0];
	v14 =	vshll.u32 v14, $0x8  }
0x7b: {  	v18 =	vshll.u32 v18, $0xE;
	v15 =	vld [tilespmem:s21+$0x0];
	v14 =	vadd.s32 v21, v14  }
0x7c: {  	v18 =	vadd.s32 v18, v16;
	v16 =	vld [tilespmem:s21+$0x10]  }
0x7d: {  	s8 =	sadd.s32 $0x80, s8;
	v19 =	vadd.s32 v19, v18;
	v18 =	vadd.s32 v20, v17;
	v17 =	vld [tilespmem:s21+$0x20]  }
0x7e: {  	[tilespmem:s2+$0xFFFFFFC0] =	vst v19  }
0x7f: {  	v8 =	vadd.s32 v12, v8;
	[tilespmem:s2+$0xFFFFFFD0] =	vst v18  }
0x80: {  	v9 =	vadd.s32 v13, v9;
	[tilespmem:s2+$0xFFFFFFE0] =	vst v8  }
0x81: {  	v8 =	vadd.s32 v15, v10;
	[tilespmem:s2+$0xFFFFFFF0] =	vst v9  }
0x82: {  	v63 =	vadd.s32 v16, v11;
	[tilespmem:s2+$0x0] =	vst v8  }
0x83: {  	v8 =	vadd.s32 v17, v14;
	[tilespmem:s2+$0x10] =	vst v63  }
0x84: {  	[tilespmem:s2+$0x20] =	vst v8  }
.LBB2_6:
0x85: {  	v8 =	vld [tilespmem:s4+$0x0]  }
0x86: {  	v9 =	vld [tilespmem:s3+$0x0];
	_ =	sdelay $0x1  }
0x87: {  	v10 =	vld [tilespmem:s0+$0x0];
	s29 =	sadd.s32 $0x10, s29  }
0x88: {  	p1 =	slt.u32 s29, $0x310  }
.Ltmp6:
0x89: {  	_ = 	snop;
	(pc) =	sbr.rel @p1 .LBB2_6-.Ltmp6, $4  }
0x8a: {  	v8 =	vshll.u32 v8, $0xE;
	v9 =	vshll.u32 v9, $0x8  }
0x8b: {  	v8 =	vadd.s32 v8, v9  }
0x8c: {  	s0 =	sadd.s32 $0x10, s0;
	s3 =	sadd.s32 $0x10, s3;
	s4 =	sadd.s32 $0x10, s4;
	v8 =	vadd.s32 v10, v8  }
0x8d: {  	s2 =	simm.s32 $0xFFFFFF80;
	s1 =	simm.s32 $0x1F2C0;
	[tilespmem:s5+$0x0] =	vst v8;
	s5 =	sadd.s32 $0x10, s5  }
0x8e: {  	s0 =	sadd.s32 $0x80, s2  }
0x8f: {  	v8 =	vmov s0  }
0x90: {  	v9 =	vshrl.u32 v8, $0x2;
	v10 =	vand.u32 $0x200, v8;
	v8 =	vshrl.u32 v8, $0x7  }
0x91: {  	v9 =	vand.u32 $0x80, v9;
	v8 =	vand.u32 $0x3, v8  }
0x92: {  	v11 =	vor.u32 v4, v9;
	v12 =	vor.u32 v7, v9;
	v13 =	vor.u32 v5, v9  }
0x93: {  	v9 =	vor.u32 v6, v9;
	v14 =	vshll.u32 v12, $0x2;
	vm0 =	vlt.u32 v12, $0xC8  }
0x94: {  	s0 =	sadd.s32 $0x80, s0;
	v12 =	vshll.u32 v11, $0x2;
	v15 =	vshll.u32 v13, $0x2;
	v16 =	vshll.u32 v9, $0x2  }
0x95: {  	vm1 =	vlt.u32 v13, $0xC8;
	v13 =	vmov s0;
	v14 =	vor.u32 v8, v14  }
0x96: {  	v12 =	vor.u32 v8, v12;
	v14 =	vnsel vm0, $0x0, v14;
	vm0 =	vlt.u32 v11, $0xC8  }
0x97: {  	v15 =	vor.u32 v8, v15;
	v11 =	vor.u32 v8, v16;
	v12 =	vnsel vm0, $0x0, v12  }
0x98: {  	v8 =	vor.u32 v8, v10;
	vm0 =	vlt.u32 v9, $0xC8;
	v9 =	vnsel vm1, $0x0, v15  }
0x99: {  	v17 =	vshrl.u32 v13, $0x2;
	v19 =	vand.u32 $0x200, v13;
	v10 =	vor.u32 v0, v8  }
0x9a: {  	v17 =	vand.u32 $0x80, v17;
	v15 =	vor.u32 v1, v8;
	v11 =	vnsel vm0, $0x0, v11  }
0x9b: {  	v16 =	vor.u32 v2, v8;
	v20 =	vor.u32 v3, v8;
	v8 =	vshrl.u32 v13, $0x7;
	v14 =	vld.idx.msk [tilespmem:v14+s28+$0x0], $0xffff  }
0x9c: {  	v18 =	vor.u32 v4, v17;
	v13 =	vor.u32 v7, v17;
	v24 =	vor.u32 v6, v17;
	v21 =	vld.idx.msk [tilespmem:v12+s28+$0x0], $0xffff  }
0x9d: {  	v22 =	vand.u32 $0x3, v8;
	v23 =	vshll.u32 v13, $0x2;
	vm0 =	vlt.u32 v13, $0xC8;
	v8 =	vld.idx.msk [tilespmem:v9+s28+$0x0], $0xffff  }
0x9e: {  	v63 =	vshll.u32 v24, $0x2;
	v12 =	vor.u32 v5, v17;
	v17 =	vor.u32 v22, v23;
	v10 =	vld.idx.msk [tilespmem:v10+s28+$0x0], $0xffff  }
0x9f: {  	vm1 =	vlt.u32 v18, $0xC8;
	v9 =	vld.idx.msk [tilespmem:v11+s28+$0x0], $0xffff;
	v11 =	vshll.u32 v18, $0x2;
	v13 =	vnsel vm0, $0x0, v17  }
0xa0: {  	v62 =	vshll.u32 v12, $0x2;
	vm0 =	vlt.u32 v12, $0xC8;
	v18 =	vor.u32 v22, v63;
	v12 =	vld.idx.msk [tilespmem:v16+s28+$0x0], $0xffff  }
0xa1: {  	v16 =	vor.u32 v22, v19;
	v25 =	vor.u32 v22, v11;
	v11 =	vld.idx.msk [tilespmem:v15+s28+$0x0], $0xffff;
	[tilespmem:s1+$0x30] =	vst v14  }
0xa2: {  	s30 =	smov.u32 s11;
	v17 =	vor.u32 v22, v62;
	v15 =	vnsel vm1, $0x0, v25;
	vm1 =	vlt.u32 v24, $0xC8;
	v14 =	vld.idx.msk [tilespmem:v20+s28+$0x0], $0xffff;
	[tilespmem:s1+$0x0] =	vst v21  }
.LBB2_8:
0xa3: {  	s0 =	sadd.s32 $0x80, s0;
	v19 =	vor.u32 v0, v16;
	v17 =	vnsel vm0, $0x0, v17;
	v18 =	vnsel vm1, $0x0, v18;
	[tilespmem:s1+$0x10] =	vst v8  }
0xa4: {  	v20 =	vor.u32 v1, v16;
	v21 =	vor.u32 v2, v16;
	v8 =	vmov s0;
	p1 =	slt.u32 s0, $0x380;
	v22 =	vld.idx.msk [tilespmem:v13+s28+$0x0], $0xffff;
	[tilespmem:s1+$0x20] =	vst v9  }
0xa5: {  	v24 =	vor.u32 v3, v16;
	v23 =	vand.u32 $0x200, v8;
	v9 =	vshrl.u32 v8, $0x2;
	[tilespmem:s1+$0xFFFFFFC0] =	vst v10  }
0xa6: {  	v9 =	vand.u32 $0x80, v9;
	[tilespmem:s1+$0xFFFFFFD0] =	vst v11  }
0xa7: {  	v8 =	vshrl.u32 v8, $0x7;
	v16 =	vor.u32 v4, v9;
	v10 =	vor.u32 v7, v9;
	v25 =	vld.idx.msk [tilespmem:v15+s28+$0x0], $0xffff;
	[tilespmem:s1+$0xFFFFFFE0] =	vst v12  }
0xa8: {  	v15 =	vand.u32 $0x3, v8;
	v12 =	vor.u32 v5, v9;
	v11 =	vshll.u32 v10, $0x2;
	v8 =	vld.idx.msk [tilespmem:v17+s28+$0x0], $0xffff;
	[tilespmem:s1+$0xFFFFFFF0] =	vst v14  }
.Ltmp7:
0xa9: {  	v14 =	vor.u32 v6, v9;
	vm0 =	vlt.u32 v10, $0xC8;
	s1 =	sadd.s32 $0x80, s1;
	v11 =	vor.u32 v15, v11;
	v9 =	vld.idx.msk [tilespmem:v18+s28+$0x0], $0xffff;
	(pc) =	sbr.rel @p1 .LBB2_8-.Ltmp7, $4  }
0xaa: {  	v17 =	vshll.u32 v16, $0x2;
	v18 =	vshll.u32 v12, $0x2;
	v13 =	vnsel vm0, $0x0, v11;
	v10 =	vld.idx.msk [tilespmem:v19+s28+$0x0], $0xffff;
	[tilespmem:s1+$0x30] =	vst v22  }
0xab: {  	v19 =	vor.u32 v15, v17;
	v17 =	vor.u32 v15, v18;
	v18 =	vshll.u32 v14, $0x2;
	v11 =	vld.idx.msk [tilespmem:v20+s28+$0x0], $0xffff  }
0xac: {  	vm1 =	vlt.u32 v16, $0xC8;
	vm0 =	vlt.u32 v12, $0xC8;
	v18 =	vor.u32 v15, v18;
	v12 =	vld.idx.msk [tilespmem:v21+s28+$0x0], $0xffff  }
0xad: {  	v16 =	vor.u32 v15, v23;
	v15 =	vnsel vm1, $0x0, v19;
	vm1 =	vlt.u32 v14, $0xC8;
	v14 =	vld.idx.msk [tilespmem:v24+s28+$0x0], $0xffff;
	[tilespmem:s1+$0x0] =	vst v25  }
0xae: {  	_ = 	snop  }
0xaf: {  	v17 =	vnsel vm0, $0x0, v17  }
0xb0: {  	v18 =	vnsel vm1, $0x0, v18  }
0xb1: {  	v19 =	vor.u32 v0, v16;
	[tilespmem:s1+$0x10] =	vst v8  }
0xb2: {  	v8 =	vor.u32 v1, v16;
	v13 =	vld.idx.msk [tilespmem:v13+s28+$0x0], $0xffff;
	[tilespmem:s1+$0x20] =	vst v9  }
0xb3: {  	v57 =	vor.u32 v2, v16;
	v58 =	vld.idx.msk [tilespmem:v15+s28+$0x0], $0xffff;
	[tilespmem:s1+$0xFFFFFFC0] =	vst v10  }
0xb4: {  	v59 =	vor.u32 v3, v16;
	[tilespmem:s1+$0xFFFFFFD0] =	vst v11;
	v60 =	vld.idx.msk [tilespmem:v17+s28+$0x0], $0xffff  }
0xb5: {  	[tilespmem:s1+$0xFFFFFFE0] =	vst v12;
	v61 =	vld.idx.msk [tilespmem:v18+s28+$0x0], $0xffff  }
0xb6: {  	s0 =	sadd.s32 $0x80, s1;
	[tilespmem:s1+$0xFFFFFFF0] =	vst v14;
	v62 =	vld.idx.msk [tilespmem:v19+s28+$0x0], $0xffff  }
0xb7: {  	[tilespmem:s0+$0x30] =	vst v13;
	v8 =	vld.idx.msk [tilespmem:v8+s28+$0x0], $0xffff  }
0xb8: {  	v9 =	vld.idx.msk [tilespmem:v57+s28+$0x0], $0xffff;
	[tilespmem:s0+$0x0] =	vst v58  }
0xb9: {  	v63 =	vld.idx.msk [tilespmem:v59+s28+$0x0], $0xffff;
	[tilespmem:s0+$0x10] =	vst v60  }
0xba: {  	[tilespmem:s0+$0x20] =	vst v61  }
0xbb: {  	[tilespmem:s0+$0xFFFFFFC0] =	vst v62  }
0xbc: {  	s8 =	sshll.u32 s19, $0xA;
	[tilespmem:s0+$0xFFFFFFD0] =	vst v8  }
0xbd: {  	s19 =	simm.s32 $0x1F280;
	s1 =	sand.u32 $0x3FFFFC00, s8;
	[tilespmem:s0+$0xFFFFFFE0] =	vst v9  }
.Ltmp8:
0xbe: {  	s21 =	simm.s32 $0x7;
	s11 =	sadd.s32 s1, s7;
	[tilespmem:s0+$0xFFFFFFF0] =	vst v63;
	(pc) =	sbr.rel @p0 .LBB2_17-.Ltmp8, $4  }
0xbf: {  	[spmem:s11] =	stream.linear.scatter [tilespmem:s19], [sflag:$0x7], $0x400, $0x38;
	[tilespmem:$0x1F680] =	vst v63  }
0xc0: {  	s29 =	smov.u32 s10;
	_ =	swait.ge [sflag:s21], $0x400  }
0xc1: {  	s10 =	stileid.u32;
	s11 =	smov.u32 s22;
	[sflag:s21] =	ssyncset.done $0x0  }
0xc2: {  	s22 =	smov.u32 s18;
	s18 =	smov.u32 s23;
	[sflag:s21] =	ssyncadd.s32 $0xFFFFFC00  }
0xc3: {  	s0 =	rddreg [dreg:$0x10]  }
0xc4: {  	s0 =	sadd.s32 s0, s12  }
0xc5: {  	p0 =	sgt.u32 s0, $0xC7  }
0xc6: {  	s0 =	smul.u32 @!p0 $0x64, s0  }
0xc7: {  	s1 =	rddreg [dreg:$0x1]  }
0xc8: {  	s2 =	simm.s32 @!p0 $0x0;
	s3 =	simm.s32 @!p0 $0x1DA00;
	s1 =	sadd.s32 @!p0 s1, s0  }
0xc9: {  	[tilespmem:s3], [sflag:$0x2] =	stream.linear.gather @!p0 [hbm4b:s1+s2], $0x320, $0x38;
	[tilespmem:$0x1F680] =	vst v63  }
0xca: {  	s1 =	rddreg [dreg:$0x3]  }
0xcb: {  	s3 =	simm.s32 @!p0 $0x1E100;
	s1 =	sadd.s32 @!p0 s1, s0  }
0xcc: {  	[tilespmem:s3], [sflag:$0x2] =	stream.linear.gather @!p0 [hbm4b:s1+s2], $0x320, $0x38;
	[tilespmem:$0x1F680] =	vst v63  }
0xcd: {  	s1 =	rddreg [dreg:$0x2]  }
0xce: {  	s0 =	sadd.s32 @!p0 s1, s0;
	s1 =	simm.s32 @!p0 $0x1DD80  }
0xcf: {  	[tilespmem:s1], [sflag:$0x2] =	stream.linear.gather @!p0 [hbm4b:s0+s2], $0x320, $0x38;
	[tilespmem:$0x1F680] =	vst v63  }
0xd0: {  	_ =	swait.ge [sflag:s31], $0x320  }
0xd1: {  	[sflag:s31] =	ssyncset.done $0x0  }
0xd2: {  	[sflag:s31] =	ssyncadd.s32 $0xFFFFFCE0  }
0xd3: {  	_ =	swait.ge [sflag:s31], $0x320  }
0xd4: {  	[sflag:s31] =	ssyncset.done $0x0  }
0xd5: {  	[sflag:s31] =	ssyncadd.s32 $0xFFFFFCE0  }
0xd6: {  	_ =	swait.ge [sflag:s31], $0x320  }
0xd7: {  	[sflag:s31] =	ssyncset.done $0x0  }
0xd8: {  	s23 =	simm.s32 $0x1E4C0;
	[sflag:s31] =	ssyncadd.s32 $0xFFFFFCE0  }
0xd9: {  	s1 =	simm.s32 $0x1EBC0;
	v8 =	vld [tilespmem:s23+$0x30]  }
0xda: {  	v9 =	vld [tilespmem:s1+$0x30]  }
0xdb: {  	s12 =	simm.s32 $0x1E840;
	v11 =	vld [tilespmem:s1+$0xFFFFFFC0]  }
0xdc: {  	v10 =	vld [tilespmem:s12+$0x30]  }
0xdd: {  	v12 =	vld [tilespmem:s23+$0xFFFFFFD0]  }
0xde: {  	v13 =	vld [tilespmem:s1+$0xFFFFFFD0]  }
0xdf: {  	v14 =	vld [tilespmem:s23+$0xFFFFFFE0]  }
0xe0: {  	v15 =	vld [tilespmem:s1+$0xFFFFFFE0]  }
0xe1: {  	v16 =	vld [tilespmem:s23+$0xFFFFFFF0]  }
0xe2: {  	v17 =	vld [tilespmem:s1+$0xFFFFFFF0]  }
0xe3: {  	v18 =	vld [tilespmem:s23+$0x0]  }
0xe4: {  	v19 =	vld [tilespmem:s1+$0x0]  }
0xe5: {  	v20 =	vld [tilespmem:s23+$0x10]  }
0xe6: {  	v21 =	vld [tilespmem:s1+$0x10]  }
0xe7: {  	v22 =	vld [tilespmem:s23+$0x20];
	v8 =	vshll.u32 v8, $0xE;
	v9 =	vshll.u32 v9, $0x8  }
0xe8: {  	v23 =	vld [tilespmem:s1+$0x20];
	v8 =	vadd.s32 v8, v9  }
0xe9: {  	v25 =	vld [tilespmem:s23+$0xFFFFFFC0];
	v9 =	vshll.u32 v13, $0x8;
	v24 =	vadd.s32 v10, v8;
	v8 =	vshll.u32 v12, $0xE  }
0xea: {  	v27 =	vld [tilespmem:s12+$0xFFFFFFC0];
	v26 =	vadd.s32 v8, v9;
	v8 =	vshll.u32 v14, $0xE;
	v9 =	vshll.u32 v15, $0x8  }
0xeb: {  	v10 =	vshll.u32 v17, $0x8;
	v17 =	vld [tilespmem:s12+$0xFFFFFFD0];
	v8 =	vadd.s32 v8, v9;
	v9 =	vshll.u32 v16, $0xE  }
0xec: {  	v13 =	vshll.u32 v19, $0x8;
	v12 =	vld [tilespmem:s12+$0xFFFFFFE0];
	v9 =	vadd.s32 v9, v10;
	v10 =	vshll.u32 v18, $0xE  }
0xed: {  	v14 =	vshll.u32 v20, $0xE;
	v15 =	vshll.u32 v21, $0x8;
	v10 =	vadd.s32 v10, v13;
	v13 =	vld [tilespmem:s12+$0xFFFFFFF0]  }
0xee: {  	v16 =	vshll.u32 v11, $0x8;
	v11 =	vadd.s32 v14, v15;
	v14 =	vshll.u32 v25, $0xE;
	v15 =	vld [tilespmem:s12+$0x0]  }
0xef: {  	s4 =	simm.s32 $0x1E780;
	s19 =	simm.s32 $0x1EB00;
	s0 =	simm.s32 $0x1EF40;
	v19 =	vshll.u32 v23, $0x8;
	v18 =	vshll.u32 v22, $0xE;
	v20 =	vadd.s32 v14, v16;
	v16 =	vld [tilespmem:s12+$0x10]  }
0xf0: {  	s5 =	simm.s32 $0x1E540;
	s3 =	simm.s32 $0x1EE80;
	s2 =	simm.s32 $0x0;
	[tilespmem:s0+$0x30] =	vst v24;
	v14 =	vadd.s32 v18, v19;
	v19 =	vadd.s32 v27, v20;
	v18 =	vadd.s32 v17, v26;
	v17 =	vld [tilespmem:s12+$0x20]  }
.LBB2_11:
0xf1: {  	v20 =	vld [tilespmem:s5+$0x30];
	[tilespmem:s0+$0xFFFFFFC0] =	vst v19;
	v8 =	vadd.s32 v12, v8;
	s1 =	sadd.s32 $0x80, s1  }
0xf2: {  	s2 =	sadd.s32 $0x80, s2;
	v12 =	vld [tilespmem:s1+$0x30];
	[tilespmem:s0+$0xFFFFFFD0] =	vst v18;
	v9 =	vadd.s32 v13, v9  }
0xf3: {  	s12 =	sadd.s32 $0x80, s12;
	p0 =	slt.u32 s2, $0x280;
	v13 =	vld [tilespmem:s1+$0xFFFFFFC0];
	[tilespmem:s0+$0xFFFFFFE0] =	vst v8;
	v8 =	vadd.s32 v15, v10  }
0xf4: {  	v10 =	vld [tilespmem:s12+$0x30];
	[tilespmem:s0+$0xFFFFFFF0] =	vst v9;
	v9 =	vadd.s32 v16, v11  }
0xf5: {  	v11 =	vld [tilespmem:s5+$0xFFFFFFD0];
	[tilespmem:s0+$0x0] =	vst v8;
	v8 =	vadd.s32 v17, v14  }
0xf6: {  	v14 =	vld [tilespmem:s1+$0xFFFFFFD0];
	[tilespmem:s0+$0x10] =	vst v9  }
0xf7: {  	v15 =	vshll.u32 v20, $0xE;
	v9 =	vld [tilespmem:s5+$0xFFFFFFE0];
	v12 =	vshll.u32 v12, $0x8;
	[tilespmem:s0+$0x20] =	vst v8  }
0xf8: {  	v16 =	vshll.u32 v13, $0x8;
	v8 =	vld [tilespmem:s1+$0xFFFFFFE0];
	v12 =	vadd.s32 v15, v12  }
0xf9: {  	s0 =	sadd.s32 $0x80, s0;
	v13 =	vld [tilespmem:s5+$0xFFFFFFF0];
	v10 =	vadd.s32 v10, v12  }
0xfa: {  	s8 =	simm.s32 $0x2F0;
	s21 =	simm.s32 $0x1F200;
	v11 =	vshll.u32 v11, $0xE;
	v12 =	vld [tilespmem:s1+$0xFFFFFFF0];
	[tilespmem:s0+$0x30] =	vst v10  }
0xfb: {  	v10 =	vshll.u32 v14, $0x8;
	v14 =	vld [tilespmem:s5+$0x0]  }
0xfc: {  	v17 =	vadd.s32 v11, v10;
	v9 =	vshll.u32 v9, $0xE;
	v10 =	vld [tilespmem:s1+$0x0]  }
0xfd: {  	v8 =	vshll.u32 v8, $0x8;
	v11 =	vld [tilespmem:s5+$0x10]  }
0xfe: {  	v8 =	vadd.s32 v9, v8;
	v9 =	vshll.u32 v13, $0xE;
	v13 =	vld [tilespmem:s1+$0x10]  }
0xff: {  	v12 =	vshll.u32 v12, $0x8;
	v15 =	vld [tilespmem:s5+$0x20]  }
0x100: {  	v9 =	vadd.s32 v9, v12;
	v12 =	vshll.u32 v14, $0xE;
	v14 =	vld [tilespmem:s1+$0x20]  }
0x101: {  	v18 =	vld [tilespmem:s5+$0xFFFFFFC0];
	v10 =	vshll.u32 v10, $0x8  }
0x102: {  	v19 =	vld [tilespmem:s12+$0xFFFFFFC0];
	v10 =	vadd.s32 v12, v10;
	v11 =	vshll.u32 v11, $0xE  }
0x103: {  	v20 =	vld [tilespmem:s12+$0xFFFFFFD0];
	v13 =	vshll.u32 v13, $0x8  }
.Ltmp9:
0x104: {  	v12 =	vld [tilespmem:s12+$0xFFFFFFE0];
	v11 =	vadd.s32 v11, v13;
	v21 =	vshll.u32 v15, $0xE;
	(pc) =	sbr.rel @p0 .LBB2_11-.Ltmp9, $4  }
0x105: {  	v13 =	vld [tilespmem:s12+$0xFFFFFFF0];
	v14 =	vshll.u32 v14, $0x8  }
0x106: {  	v18 =	vshll.u32 v18, $0xE;
	v15 =	vld [tilespmem:s12+$0x0];
	v14 =	vadd.s32 v21, v14  }
0x107: {  	v18 =	vadd.s32 v18, v16;
	v16 =	vld [tilespmem:s12+$0x10]  }
0x108: {  	s5 =	sadd.s32 $0x80, s5;
	v19 =	vadd.s32 v19, v18;
	v18 =	vadd.s32 v20, v17;
	v17 =	vld [tilespmem:s12+$0x20]  }
0x109: {  	[tilespmem:s0+$0xFFFFFFC0] =	vst v19  }
0x10a: {  	v8 =	vadd.s32 v12, v8;
	[tilespmem:s0+$0xFFFFFFD0] =	vst v18  }
0x10b: {  	v9 =	vadd.s32 v13, v9;
	[tilespmem:s0+$0xFFFFFFE0] =	vst v8  }
0x10c: {  	v8 =	vadd.s32 v15, v10;
	[tilespmem:s0+$0xFFFFFFF0] =	vst v9  }
0x10d: {  	v63 =	vadd.s32 v16, v11;
	[tilespmem:s0+$0x0] =	vst v8  }
0x10e: {  	v8 =	vadd.s32 v17, v14;
	[tilespmem:s0+$0x10] =	vst v63  }
0x10f: {  	[tilespmem:s0+$0x20] =	vst v8  }
.LBB2_13:
0x110: {  	v8 =	vld [tilespmem:s4+$0x0]  }
0x111: {  	v9 =	vld [tilespmem:s3+$0x0];
	_ =	sdelay $0x1  }
0x112: {  	v10 =	vld [tilespmem:s19+$0x0];
	s8 =	sadd.s32 $0x10, s8  }
0x113: {  	p0 =	slt.u32 s8, $0x310  }
.Ltmp10:
0x114: {  	_ = 	snop;
	(pc) =	sbr.rel @p0 .LBB2_13-.Ltmp10, $4  }
0x115: {  	v8 =	vshll.u32 v8, $0xE;
	v9 =	vshll.u32 v9, $0x8  }
0x116: {  	v8 =	vadd.s32 v8, v9  }
0x117: {  	s19 =	sadd.s32 $0x10, s19;
	s3 =	sadd.s32 $0x10, s3;
	s4 =	sadd.s32 $0x10, s4;
	v8 =	vadd.s32 v10, v8  }
0x118: {  	s0 =	simm.s32 $0xFFFFFF80;
	s1 =	simm.s32 $0x1F2C0;
	[tilespmem:s21+$0x0] =	vst v8;
	s21 =	sadd.s32 $0x10, s21  }
0x119: {  	s0 =	sadd.s32 $0x80, s0  }
0x11a: {  	v8 =	vmov s0  }
0x11b: {  	v9 =	vshrl.u32 v8, $0x2;
	v10 =	vand.u32 $0x200, v8;
	v8 =	vshrl.u32 v8, $0x7  }
0x11c: {  	v9 =	vand.u32 $0x80, v9;
	v8 =	vand.u32 $0x3, v8  }
0x11d: {  	v11 =	vor.u32 v4, v9;
	v12 =	vor.u32 v7, v9;
	v13 =	vor.u32 v5, v9  }
0x11e: {  	v9 =	vor.u32 v6, v9;
	v14 =	vshll.u32 v12, $0x2;
	vm0 =	vlt.u32 v12, $0xC8  }
0x11f: {  	s0 =	sadd.s32 $0x80, s0;
	v12 =	vshll.u32 v11, $0x2;
	v15 =	vshll.u32 v13, $0x2;
	v16 =	vshll.u32 v9, $0x2  }
0x120: {  	vm1 =	vlt.u32 v13, $0xC8;
	v13 =	vmov s0;
	v14 =	vor.u32 v8, v14  }
0x121: {  	v12 =	vor.u32 v8, v12;
	v14 =	vnsel vm0, $0x0, v14;
	vm0 =	vlt.u32 v11, $0xC8  }
0x122: {  	v15 =	vor.u32 v8, v15;
	v11 =	vor.u32 v8, v16;
	v12 =	vnsel vm0, $0x0, v12  }
0x123: {  	v8 =	vor.u32 v8, v10;
	vm0 =	vlt.u32 v9, $0xC8;
	v9 =	vnsel vm1, $0x0, v15  }
0x124: {  	v17 =	vshrl.u32 v13, $0x2;
	v19 =	vand.u32 $0x200, v13;
	v10 =	vor.u32 v0, v8  }
0x125: {  	v17 =	vand.u32 $0x80, v17;
	v15 =	vor.u32 v1, v8;
	v11 =	vnsel vm0, $0x0, v11  }
0x126: {  	v16 =	vor.u32 v2, v8;
	v20 =	vor.u32 v3, v8;
	v8 =	vshrl.u32 v13, $0x7;
	v14 =	vld.idx.msk [tilespmem:v14+s28+$0x0], $0xffff  }
0x127: {  	v18 =	vor.u32 v4, v17;
	v13 =	vor.u32 v7, v17;
	v24 =	vor.u32 v6, v17;
	v21 =	vld.idx.msk [tilespmem:v12+s28+$0x0], $0xffff  }
0x128: {  	v22 =	vand.u32 $0x3, v8;
	v23 =	vshll.u32 v13, $0x2;
	vm0 =	vlt.u32 v13, $0xC8;
	v8 =	vld.idx.msk [tilespmem:v9+s28+$0x0], $0xffff  }
0x129: {  	v63 =	vshll.u32 v24, $0x2;
	v12 =	vor.u32 v5, v17;
	v17 =	vor.u32 v22, v23;
	v10 =	vld.idx.msk [tilespmem:v10+s28+$0x0], $0xffff  }
0x12a: {  	vm1 =	vlt.u32 v18, $0xC8;
	v9 =	vld.idx.msk [tilespmem:v11+s28+$0x0], $0xffff;
	v11 =	vshll.u32 v18, $0x2;
	v13 =	vnsel vm0, $0x0, v17  }
0x12b: {  	v62 =	vshll.u32 v12, $0x2;
	vm0 =	vlt.u32 v12, $0xC8;
	v18 =	vor.u32 v22, v63;
	v12 =	vld.idx.msk [tilespmem:v16+s28+$0x0], $0xffff  }
0x12c: {  	v16 =	vor.u32 v22, v19;
	v25 =	vor.u32 v22, v11;
	v11 =	vld.idx.msk [tilespmem:v15+s28+$0x0], $0xffff;
	[tilespmem:s1+$0x30] =	vst v14  }
0x12d: {  	v17 =	vor.u32 v22, v62;
	v15 =	vnsel vm1, $0x0, v25;
	vm1 =	vlt.u32 v24, $0xC8;
	v14 =	vld.idx.msk [tilespmem:v20+s28+$0x0], $0xffff;
	[tilespmem:s1+$0x0] =	vst v21  }
.LBB2_15:
0x12e: {  	s0 =	sadd.s32 $0x80, s0;
	v19 =	vor.u32 v0, v16;
	v17 =	vnsel vm0, $0x0, v17;
	v18 =	vnsel vm1, $0x0, v18;
	[tilespmem:s1+$0x10] =	vst v8  }
0x12f: {  	v20 =	vor.u32 v1, v16;
	v21 =	vor.u32 v2, v16;
	v8 =	vmov s0;
	p0 =	slt.u32 s0, $0x380;
	v22 =	vld.idx.msk [tilespmem:v13+s28+$0x0], $0xffff;
	[tilespmem:s1+$0x20] =	vst v9  }
0x130: {  	v24 =	vor.u32 v3, v16;
	v23 =	vand.u32 $0x200, v8;
	v9 =	vshrl.u32 v8, $0x2;
	[tilespmem:s1+$0xFFFFFFC0] =	vst v10  }
0x131: {  	v9 =	vand.u32 $0x80, v9;
	[tilespmem:s1+$0xFFFFFFD0] =	vst v11  }
0x132: {  	v8 =	vshrl.u32 v8, $0x7;
	v16 =	vor.u32 v4, v9;
	v10 =	vor.u32 v7, v9;
	v25 =	vld.idx.msk [tilespmem:v15+s28+$0x0], $0xffff;
	[tilespmem:s1+$0xFFFFFFE0] =	vst v12  }
0x133: {  	v15 =	vand.u32 $0x3, v8;
	v12 =	vor.u32 v5, v9;
	v11 =	vshll.u32 v10, $0x2;
	v8 =	vld.idx.msk [tilespmem:v17+s28+$0x0], $0xffff;
	[tilespmem:s1+$0xFFFFFFF0] =	vst v14  }
.Ltmp11:
0x134: {  	v14 =	vor.u32 v6, v9;
	vm0 =	vlt.u32 v10, $0xC8;
	s1 =	sadd.s32 $0x80, s1;
	v11 =	vor.u32 v15, v11;
	v9 =	vld.idx.msk [tilespmem:v18+s28+$0x0], $0xffff;
	(pc) =	sbr.rel @p0 .LBB2_15-.Ltmp11, $4  }
0x135: {  	v17 =	vshll.u32 v16, $0x2;
	v18 =	vshll.u32 v12, $0x2;
	v13 =	vnsel vm0, $0x0, v11;
	v10 =	vld.idx.msk [tilespmem:v19+s28+$0x0], $0xffff;
	[tilespmem:s1+$0x30] =	vst v22  }
0x136: {  	v19 =	vor.u32 v15, v17;
	v17 =	vor.u32 v15, v18;
	v18 =	vshll.u32 v14, $0x2;
	v11 =	vld.idx.msk [tilespmem:v20+s28+$0x0], $0xffff  }
0x137: {  	vm1 =	vlt.u32 v16, $0xC8;
	vm0 =	vlt.u32 v12, $0xC8;
	v18 =	vor.u32 v15, v18;
	v12 =	vld.idx.msk [tilespmem:v21+s28+$0x0], $0xffff  }
0x138: {  	v16 =	vor.u32 v15, v23;
	v15 =	vnsel vm1, $0x0, v19;
	vm1 =	vlt.u32 v14, $0xC8;
	v14 =	vld.idx.msk [tilespmem:v24+s28+$0x0], $0xffff;
	[tilespmem:s1+$0x0] =	vst v25  }
0x139: {  	_ = 	snop  }
0x13a: {  	v17 =	vnsel vm0, $0x0, v17  }
0x13b: {  	v18 =	vnsel vm1, $0x0, v18  }
0x13c: {  	v19 =	vor.u32 v0, v16;
	[tilespmem:s1+$0x10] =	vst v8  }
0x13d: {  	v8 =	vor.u32 v1, v16;
	v13 =	vld.idx.msk [tilespmem:v13+s28+$0x0], $0xffff;
	[tilespmem:s1+$0x20] =	vst v9  }
0x13e: {  	v58 =	vld.idx.msk [tilespmem:v15+s28+$0x0], $0xffff;
	[tilespmem:s1+$0xFFFFFFC0] =	vst v10  }
0x13f: {  	[tilespmem:s1+$0xFFFFFFD0] =	vst v11;
	v60 =	vld.idx.msk [tilespmem:v17+s28+$0x0], $0xffff  }
0x140: {  	v57 =	vor.u32 v2, v16;
	[tilespmem:s1+$0xFFFFFFE0] =	vst v12;
	v61 =	vld.idx.msk [tilespmem:v18+s28+$0x0], $0xffff  }
0x141: {  	v59 =	vor.u32 v3, v16;
	s0 =	sadd.s32 $0x80, s1;
	[tilespmem:s1+$0xFFFFFFF0] =	vst v14;
	v62 =	vld.idx.msk [tilespmem:v19+s28+$0x0], $0xffff  }
0x142: {  	[tilespmem:s0+$0x30] =	vst v13;
	v8 =	vld.idx.msk [tilespmem:v8+s28+$0x0], $0xffff  }
0x143: {  	[tilespmem:s0+$0x0] =	vst v58  }
0x144: {  	[tilespmem:s0+$0x10] =	vst v60  }
0x145: {  	v9 =	vld.idx.msk [tilespmem:v57+s28+$0x0], $0xffff;
	[tilespmem:s0+$0x20] =	vst v61  }
0x146: {  	v63 =	vld.idx.msk [tilespmem:v59+s28+$0x0], $0xffff;
	[tilespmem:s0+$0xFFFFFFC0] =	vst v62  }
0x147: {  	[tilespmem:s0+$0xFFFFFFD0] =	vst v8  }
0x148: {  	s12 =	rddreg [dreg:$0x13]  }
0x149: {  	s1 =	sshll.u32 s12, $0xA  }
0x14a: {  	s21 =	simm.s32 $0x1F280;
	[tilespmem:s0+$0xFFFFFFE0] =	vst v9;
	s1 =	sand.u32 $0x3FFFFC00, s1  }
.Ltmp12:
0x14b: {  	s23 =	simm.s32 $0x6;
	[tilespmem:s0+$0xFFFFFFF0] =	vst v63;
	s19 =	sadd.s32 s1, s7;
	(pc) =	sbr.rel .LBB2_17-.Ltmp12, $4  }
0x14c: {  	[spmem:s19] =	stream.linear.scatter [tilespmem:s21], [sflag:$0x6], $0x400, $0x38;
	[tilespmem:$0x1F680] =	vst v63  }
0x14d: {  	_ =	swait.ge [sflag:s23], $0x400  }
0x14e: {  	[sflag:s23] =	ssyncset.done $0x0  }
0x14f: {  	[sflag:s23] =	ssyncadd.s32 $0xFFFFFC00  }
.LBB2_18:
.Ltmp13:
0x150: {  	(pc) =	sbr.rel .LBB2_19-.Ltmp13, $3  }
0x151: {  	_ =	sdelay $0x1  }
0x152: {  	[bflag:$0x0] =	sbarrier.arrive $0xFFFF  }
0x153: {  	s20 =	simm.s32 $0x0  }
.LBB2_30:
0x154: {  	s0 =	simm.s32 $0x4;
	s20 =	sadd.s32 $0x1, s20  }
0x155: {  	_ =	swait.ge [sflag:s0], $0xA00;
	p0 =	sne.s32 s20, $0x8  }
.Ltmp14:
0x156: {  	[sflag:s0] =	ssyncset.done $0x0;
	(pc) =	sbr.rel @!p0 .LBB2_31-.Ltmp14, $4  }
0x157: {  	[sflag:s0] =	ssyncadd.s32 $0xFFFFF600  }
0x158: {  	_ =	swait.ge [sflag:s16], $0xA00  }
0x159: {  	[sflag:s16] =	ssyncset.done $0x0  }
0x15a: {  	[sflag:s16] =	ssyncadd.s32 $0xFFFFF600  }
.LBB2_19:
0x15b: {  	s0 =	sor.u32 s30, s20;
	p0 =	seq.s32 s20, $0x0  }
0x15c: {  	s1 =	sshll.u32 @!p0 s0, $0xE  }
0x15d: {  	s1 =	sand.u32 @!p0 $0xFC000, s1  }
0x15e: {  	s1 =	sor.u32 @!p0 s11, s1  }
0x15f: {  	s1 =	sshrl.u32 @!p0 s1, $0x3  }
0x160: {  	s3 =	simm.s32 @!p0 $0x0;
	s4 =	simm.s32 @!p0 $0x3200;
	s2 =	sadd.s32 @!p0 s29, s1  }
0x161: {  	[tilespmem:s4], [sflag:$0x1] =	stream.linear.gather @!p0 [hbm4b:s2+s3], $0x4000, $0x38;
	[tilespmem:$0x1F680] =	vst v63  }
0x162: {  	s1 =	sadd.s32 @!p0 s1, s22;
	s4 =	simm.s32 @!p0 $0x7200  }
0x163: {  	[tilespmem:s4], [sflag:$0x1] =	stream.linear.gather @!p0 [hbm4b:s1+s3], $0x4000, $0x38;
	[tilespmem:$0x1F680] =	vst v63  }
0x164: {  	s1 =	sadd.s32 @!p0 $0x40000, s2;
	s4 =	simm.s32 @!p0 $0xB200  }
0x165: {  	[tilespmem:s4], [sflag:$0x1] =	stream.linear.gather @!p0 [hbm4b:s1+s3], $0x4000, $0x38;
	[tilespmem:$0x1F680] =	vst v63  }
0x166: {  	s1 =	sadd.s32 @!p0 $0x60000, s2;
	s4 =	simm.s32 @!p0 $0xF200  }
0x167: {  	[tilespmem:s4], [sflag:$0x1] =	stream.linear.gather @!p0 [hbm4b:s1+s3], $0x4000, $0x38;
	[tilespmem:$0x1F680] =	vst v63  }
0x168: {  	s1 =	sadd.s32 @!p0 $0x80000, s2;
	s4 =	simm.s32 @!p0 $0x13200  }
0x169: {  	[tilespmem:s4], [sflag:$0x1] =	stream.linear.gather @!p0 [hbm4b:s1+s3], $0x4000, $0x38;
	[tilespmem:$0x1F680] =	vst v63  }
0x16a: {  	s1 =	sadd.s32 @!p0 $0xA0000, s2;
	s2 =	simm.s32 @!p0 $0x17200  }
0x16b: {  	[tilespmem:s2], [sflag:$0x1] =	stream.linear.gather @!p0 [hbm4b:s1+s3], $0x4000, $0x38;
	[tilespmem:$0x1F680] =	vst v63  }
0x16c: {  	_ =	swait.ge [sflag:s25], $0x4000  }
0x16d: {  	[sflag:s25] =	ssyncset.done $0x0  }
0x16e: {  	[sflag:s25] =	ssyncadd.s32 $0xFFFFC000  }
0x16f: {  	_ =	swait.ge [sflag:s25], $0x4000  }
0x170: {  	[sflag:s25] =	ssyncset.done $0x0  }
0x171: {  	[sflag:s25] =	ssyncadd.s32 $0xFFFFC000  }
0x172: {  	_ =	swait.ge [sflag:s25], $0x4000  }
0x173: {  	[sflag:s25] =	ssyncset.done $0x0  }
0x174: {  	[sflag:s25] =	ssyncadd.s32 $0xFFFFC000  }
0x175: {  	_ =	swait.ge [sflag:s25], $0x4000  }
0x176: {  	[sflag:s25] =	ssyncset.done $0x0  }
0x177: {  	[sflag:s25] =	ssyncadd.s32 $0xFFFFC000  }
0x178: {  	_ =	swait.ge [sflag:s25], $0x4000  }
0x179: {  	[sflag:s25] =	ssyncset.done $0x0  }
0x17a: {  	[sflag:s25] =	ssyncadd.s32 $0xFFFFC000  }
0x17b: {  	_ =	swait.ge [sflag:s25], $0x4000  }
0x17c: {  	[sflag:s25] =	ssyncset.done $0x0  }
0x17d: {  	s23 =	smul.u32 $0x32000, s0;
	[sflag:s25] =	ssyncadd.s32 $0xFFFFC000  }
0x17e: {  	[tilespmem:s13], [sflag:$0x2] =	stream.linear.gather [spmem:s7], $0xA00, $0x38;
	[tilespmem:$0x1F680] =	vst v63  }
0x17f: {  	s19 =	simm.s32 $0x0;
	s12 =	sor.u32 $0xA00, s23  }
0x180: {  	[tilespmem:s14], [sflag:$0x3] =	stream.linear.gather [spmem:s18], $0xA00, $0x38;
	[tilespmem:$0x1F680] =	vst v63  }
.LBB2_20:
0x181: {  	_ =	swait.ge [sflag:s26], $0xA00  }
0x182: {  	p0 =	seq.s32 s19, $0x0;
	[sflag:s26] =	ssyncset.done $0x0  }
0x183: {  	s0 =	simm.s32 @!p0 $0x4;
	[sflag:s26] =	ssyncadd.s32 $0xFFFFF600  }
0x184: {  	_ =	swait.ge @!p0 [sflag:s0], $0xA00  }
0x185: {  	[sflag:s0] =	ssyncset.done @!p0 $0x0  }
0x186: {  	s8 =	simm.s32 $0x1B240;
	[sflag:s0] =	ssyncadd.s32 @!p0 $0xFFFFF600  }
0x187: {  	v8 =	vld [tilespmem:s8+$0x30]  }
0x188: {  	v9 =	vld [tilespmem:s8+$0xFFFFFFD0]  }
0x189: {  	v11 =	vld [tilespmem:s8+$0xFFFFFFF0]  }
0x18a: {  	v13 =	vld [tilespmem:s8+$0x10]  }
0x18b: {  	v15 =	vld [tilespmem:s8+$0x20]  }
0x18c: {  	v17 =	vld [tilespmem:s8+$0xFFFFFFC0];
	_ =	sdelay $0x1  }
0x18d: {  	v10 =	vld [tilespmem:s8+$0xFFFFFFE0]  }
0x18e: {  	v12 =	vld [tilespmem:s8+$0x0];
	v14 =	vshll.u32 v8, $0x3;
	v16 =	vshrl.u32 v8, $0x1;
	v8 =	vand.u32 $0xFFFFF87F, v8  }
0x18f: {  	v18 =	vshll.u32 v9, $0x3;
	v19 =	vshll.u32 v11, $0x3;
	v20 =	vshll.u32 v13, $0x3  }
0x190: {  	v21 =	vshrl.u32 v9, $0x1;
	v22 =	vshll.u32 v15, $0x3;
	v23 =	vshll.u32 v17, $0x3  }
0x191: {  	v24 =	vshrl.u32 v17, $0x1;
	v17 =	vand.u32 $0xFFFFF87F, v17;
	v9 =	vand.u32 $0xFFFFF87F, v9  }
0x192: {  	v25 =	vshrl.u32 v10, $0x1;
	v26 =	vshrl.u32 v11, $0x1;
	v11 =	vand.u32 $0xFFFFF87F, v11  }
0x193: {  	v27 =	vshrl.u32 v12, $0x1;
	v28 =	vshrl.u32 v13, $0x1;
	v13 =	vand.u32 $0xFFFFF87F, v13  }
0x194: {  	v29 =	vshrl.u32 v15, $0x1;
	v15 =	vand.u32 $0xFFFFF87F, v15;
	v14 =	vand.u32 $0x400, v14  }
0x195: {  	v16 =	vand.u32 $0x380, v16;
	v19 =	vand.u32 $0x400, v19;
	v20 =	vand.u32 $0x400, v20  }
0x196: {  	v22 =	vand.u32 $0x400, v22;
	v23 =	vand.u32 $0x400, v23;
	v8 =	vor.u32 v14, v8  }
0x197: {  	v14 =	vshll.u32 v10, $0x3;
	v10 =	vand.u32 $0xFFFFF87F, v10;
	v17 =	vor.u32 v23, v17  }
0x198: {  	v11 =	vor.u32 v19, v11;
	v13 =	vor.u32 v20, v13;
	v15 =	vor.u32 v22, v15  }
0x199: {  	s21 =	simm.s32 $0x1B2C0;
	v19 =	vand.u32 $0x380, v21;
	v20 =	vand.u32 $0x380, v25;
	v21 =	vand.u32 $0x380, v26  }
0x19a: {  	v22 =	vld [tilespmem:s21+$0xFFFFFFE0];
	v23 =	vand.u32 $0x380, v27;
	v25 =	vand.u32 $0x380, v29;
	v8 =	vor.u32 v16, v8  }
0x19b: {  	v26 =	vld [tilespmem:s21+$0xFFFFFFF0];
	v16 =	vand.u32 $0x400, v18;
	v14 =	vand.u32 $0x400, v14;
	v18 =	vshll.u32 v12, $0x3  }
0x19c: {  	v12 =	vand.u32 $0xFFFFF87F, v12;
	v11 =	vor.u32 v21, v11;
	v10 =	vor.u32 v14, v10;
	v14 =	vld [tilespmem:s21+$0x30]  }
0x19d: {  	v18 =	vand.u32 $0x400, v18;
	v9 =	vor.u32 v16, v9;
	v16 =	vand.u32 $0x380, v24  }
0x19e: {  	v24 =	vand.u32 $0x380, v28;
	v12 =	vor.u32 v18, v12;
	v18 =	vld [tilespmem:s21+$0xFFFFFFD0];
	v16 =	vor.u32 v16, v17  }
0x19f: {  	v9 =	vor.u32 v19, v9;
	v10 =	vor.u32 v20, v10;
	v20 =	vor.u32 v24, v13;
	v17 =	vld [tilespmem:s21+$0xFFFFFFC0]  }
0x1a0: {  	v21 =	vld [tilespmem:s21+$0x10];
	v12 =	vor.u32 v23, v12;
	v23 =	vor.u32 v25, v15;
	v27 =	vshll.u32 v26, $0x3  }
0x1a1: {  	v19 =	vld [tilespmem:s21+$0x0];
	v39 =	vand.u32 $0xFFFFF87F, v22;
	v62 =	vand.u32 $0xFFFFF87F, v26;
	v13 =	vshll.u32 v14, $0x3  }
0x1a2: {  	v25 =	vld [tilespmem:s21+$0x20];
	v15 =	vshrl.u32 v14, $0x1;
	v14 =	vand.u32 $0xFFFFF87F, v14;
	v13 =	vand.u32 $0x400, v13  }
0x1a3: {  	v27 =	vand.u32 $0x400, v27;
	v34 =	vld.idx.msk [tilespmem:v11+s24+$0x0], $0xffff;
	v15 =	vand.u32 $0x380, v15;
	v13 =	vor.u32 v13, v14  }
0x1a4: {  	v24 =	vshll.u32 v18, $0x3;
	v61 =	vld.idx.msk [tilespmem:v16+s24+$0x0], $0xffff;
	v11 =	vshll.u32 v17, $0x3;
	v60 =	vor.u32 v15, v13  }
0x1a5: {  	v33 =	vld.idx.msk [tilespmem:v10+s24+$0x0], $0xffff;
	v37 =	vand.u32 $0xFFFFF87F, v17;
	v38 =	vand.u32 $0xFFFFF87F, v18;
	v16 =	vshrl.u32 v26, $0x1  }
0x1a6: {  	v63 =	vand.u32 $0xFFFFF87F, v19;
	v14 =	vld.idx.msk [tilespmem:v8+s24+$0x0], $0xffff;
	v8 =	vshll.u32 v22, $0x3;
	v30 =	vand.u32 $0x400, v24  }
0x1a7: {  	s1 =	simm.s32 $0x1C640;
	v24 =	vld.idx.msk [tilespmem:v9+s24+$0x0], $0xffff;
	v9 =	vshrl.u32 v18, $0x1;
	v10 =	vshll.u32 v25, $0x3;
	v36 =	vand.u32 $0x400, v11  }
0x1a8: {  	v35 =	vld.idx.msk [tilespmem:v12+s24+$0x0], $0xffff;
	v18 =	vshrl.u32 v21, $0x1;
	v26 =	vand.u32 $0xFFFFF87F, v25;
	v31 =	vand.u32 $0x400, v8;
	[tilespmem:s1+$0xFFFFFFF0] =	vst v34  }
0x1a9: {  	v8 =	vshll.u32 v19, $0x3;
	v13 =	vshrl.u32 v17, $0x1;
	v10 =	vand.u32 $0x400, v10;
	[tilespmem:s1+$0xFFFFFFC0] =	vst v61;
	v11 =	vld.idx.msk [tilespmem:v60+s24+$0x0], $0xffff  }
0x1aa: {  	v12 =	vld.idx.msk [tilespmem:v20+s24+$0x0], $0xffff;
	v15 =	vshrl.u32 v22, $0x1;
	v17 =	vshrl.u32 v19, $0x1;
	v19 =	vshrl.u32 v25, $0x1;
	[tilespmem:s1+$0xFFFFFFE0] =	vst v33  }
0x1ab: {  	v22 =	vor.u32 v36, v37;
	v32 =	vand.u32 $0x400, v8;
	v8 =	vshll.u32 v21, $0x3;
	[tilespmem:s1+$0x30] =	vst v14;
	v14 =	vld.idx.msk [tilespmem:v23+s24+$0x0], $0xffff  }
0x1ac: {  	s2 =	simm.s32 $0x1B340;
	v20 =	vor.u32 v30, v38;
	v25 =	vor.u32 v31, v39;
	v8 =	vand.u32 $0x400, v8;
	[tilespmem:s1+$0xFFFFFFD0] =	vst v24  }
0x1ad: {  	s3 =	simm.s32 $0x1C6C0;
	s0 =	simm.s32 $0x80;
	s21 =	smul.u32 $0x1400, s19;
	v24 =	vand.u32 $0xFFFFF87F, v21;
	v23 =	vor.u32 v27, v62;
	v21 =	vor.u32 v32, v63;
	[tilespmem:s1+$0x0] =	vst v35  }
.LBB2_21:
0x1ae: {  	v27 =	vld [tilespmem:s2+$0x30];
	s0 =	sadd.s32 $0x80, s0;
	v13 =	vand.u32 $0x380, v13;
	v8 =	vor.u32 v8, v24;
	v10 =	vor.u32 v10, v26;
	[tilespmem:s3+$0x30] =	vst v11  }
0x1af: {  	v9 =	vand.u32 $0x380, v9;
	v15 =	vand.u32 $0x380, v15;
	v16 =	vand.u32 $0x380, v16;
	v11 =	vld [tilespmem:s2+$0xFFFFFFD0];
	p1 =	slt.u32 s0, $0x980;
	[tilespmem:s1+$0x10] =	vst v12  }
0x1b0: {  	v17 =	vand.u32 $0x380, v17;
	v18 =	vand.u32 $0x380, v18;
	v19 =	vand.u32 $0x380, v19;
	v12 =	vld [tilespmem:s2+$0xFFFFFFE0];
	[tilespmem:s1+$0x20] =	vst v14;
	s1 =	smov.u32 s3  }
0x1b1: {  	v13 =	vor.u32 v13, v22;
	v9 =	vor.u32 v9, v20;
	v15 =	vor.u32 v15, v25;
	v14 =	vld [tilespmem:s2+$0xFFFFFFF0]  }
0x1b2: {  	v16 =	vor.u32 v16, v23;
	v17 =	vor.u32 v17, v21;
	v18 =	vor.u32 v18, v8;
	v20 =	vld [tilespmem:s2+$0x0]  }
0x1b3: {  	v19 =	vor.u32 v19, v10;
	v21 =	vld [tilespmem:s2+$0x10];
	v8 =	vshll.u32 v27, $0x3  }
0x1b4: {  	v10 =	vshrl.u32 v27, $0x1;
	v22 =	vand.u32 $0xFFFFF87F, v27;
	v23 =	vld [tilespmem:s2+$0x20];
	v8 =	vand.u32 $0x400, v8  }
0x1b5: {  	v25 =	vshll.u32 v11, $0x3;
	v10 =	vand.u32 $0x380, v10;
	v24 =	vld [tilespmem:s2+$0xFFFFFFC0];
	v8 =	vor.u32 v8, v22  }
0x1b6: {  	v22 =	vshll.u32 v12, $0x3;
	v26 =	vshll.u32 v14, $0x3;
	v27 =	vor.u32 v10, v8;
	v28 =	vld.idx.msk [tilespmem:v13+s24+$0x0], $0xffff  }
0x1b7: {  	v25 =	vand.u32 $0x400, v25;
	v29 =	vand.u32 $0x400, v22;
	v8 =	vshll.u32 v20, $0x3;
	v22 =	vld.idx.msk [tilespmem:v9+s24+$0x0], $0xffff  }
0x1b8: {  	v30 =	vand.u32 $0x400, v26;
	v31 =	vand.u32 $0x400, v8;
	v8 =	vshll.u32 v21, $0x3;
	v26 =	vld.idx.msk [tilespmem:v15+s24+$0x0], $0xffff  }
0x1b9: {  	v9 =	vshrl.u32 v11, $0x1;
	v8 =	vand.u32 $0x400, v8;
	v10 =	vshll.u32 v23, $0x3;
	v32 =	vld.idx.msk [tilespmem:v16+s24+$0x0], $0xffff  }
0x1ba: {  	v15 =	vshll.u32 v24, $0x3;
	v13 =	vshrl.u32 v24, $0x1;
	v10 =	vand.u32 $0x400, v10;
	v33 =	vld.idx.msk [tilespmem:v17+s24+$0x0], $0xffff  }
0x1bb: {  	v36 =	vand.u32 $0xFFFFF87F, v11;
	v35 =	vand.u32 $0xFFFFF87F, v24;
	v34 =	vand.u32 $0x400, v15;
	v11 =	vld.idx.msk [tilespmem:v27+s24+$0x0], $0xffff  }
.Ltmp15:
0x1bc: {  	v16 =	vshrl.u32 v14, $0x1;
	v15 =	vshrl.u32 v12, $0x1;
	v27 =	vand.u32 $0xFFFFF87F, v12;
	[tilespmem:s3+$0xFFFFFFC0] =	vst v28;
	v12 =	vld.idx.msk [tilespmem:v18+s24+$0x0], $0xffff;
	(pc) =	sbr.rel @p1 .LBB2_21-.Ltmp15, $4  }
0x1bd: {  	v37 =	vand.u32 $0xFFFFF87F, v20;
	v17 =	vshrl.u32 v20, $0x1;
	v28 =	vand.u32 $0xFFFFF87F, v14;
	[tilespmem:s3+$0xFFFFFFD0] =	vst v22;
	v14 =	vld.idx.msk [tilespmem:v19+s24+$0x0], $0xffff  }
0x1be: {  	v24 =	vand.u32 $0xFFFFF87F, v21;
	v18 =	vshrl.u32 v21, $0x1;
	v19 =	vshrl.u32 v23, $0x1;
	[tilespmem:s3+$0xFFFFFFE0] =	vst v26  }
0x1bf: {  	v20 =	vor.u32 v25, v36;
	v22 =	vor.u32 v34, v35;
	v26 =	vand.u32 $0xFFFFF87F, v23;
	[tilespmem:s3+$0xFFFFFFF0] =	vst v32  }
0x1c0: {  	s2 =	sadd.s32 $0x80, s2;
	v25 =	vor.u32 v29, v27;
	v21 =	vor.u32 v31, v37;
	v23 =	vor.u32 v30, v28;
	s3 =	sadd.s32 $0x80, s3;
	[tilespmem:s1+$0x0] =	vst v33  }
0x1c1: {  	v13 =	vand.u32 $0x380, v13  }
0x1c2: {  	v9 =	vand.u32 $0x380, v9;
	v13 =	vor.u32 v13, v22  }
0x1c3: {  	v15 =	vand.u32 $0x380, v15;
	v9 =	vor.u32 v9, v20  }
0x1c4: {  	v16 =	vand.u32 $0x380, v16;
	v15 =	vor.u32 v15, v25  }
0x1c5: {  	v17 =	vand.u32 $0x380, v17;
	v16 =	vor.u32 v16, v23  }
0x1c6: {  	v8 =	vor.u32 v8, v24;
	v18 =	vand.u32 $0x380, v18;
	v17 =	vor.u32 v17, v21  }
0x1c7: {  	v10 =	vor.u32 v10, v26;
	v19 =	vand.u32 $0x380, v19;
	v8 =	vor.u32 v18, v8;
	v13 =	vld.idx.msk [tilespmem:v13+s24+$0x0], $0xffff  }
0x1c8: {  	v10 =	vor.u32 v19, v10;
	v9 =	vld.idx.msk [tilespmem:v9+s24+$0x0], $0xffff  }
0x1c9: {  	[tilespmem:s3+$0x30] =	vst v11;
	v60 =	vld.idx.msk [tilespmem:v15+s24+$0x0], $0xffff  }
0x1ca: {  	[tilespmem:s1+$0x10] =	vst v12;
	v61 =	vld.idx.msk [tilespmem:v16+s24+$0x0], $0xffff  }
0x1cb: {  	[tilespmem:s1+$0x20] =	vst v14;
	v62 =	vld.idx.msk [tilespmem:v17+s24+$0x0], $0xffff  }
0x1cc: {  	v8 =	vld.idx.msk [tilespmem:v8+s24+$0x0], $0xffff;
	[tilespmem:s3+$0xFFFFFFC0] =	vst v13  }
0x1cd: {  	v63 =	vld.idx.msk [tilespmem:v10+s24+$0x0], $0xffff;
	[tilespmem:s3+$0xFFFFFFD0] =	vst v9  }
0x1ce: {  	p1 =	sne.s32 s19, $0x27;
	[tilespmem:s3+$0xFFFFFFE0] =	vst v60  }
.Ltmp16:
0x1cf: {  	[tilespmem:s3+$0xFFFFFFF0] =	vst v61;
	(pc) =	sbr.rel @p1 .LBB2_24-.Ltmp16, $4  }
0x1d0: {  	s0 =	sadd.s32 s23, s21;
	[tilespmem:s3+$0x0] =	vst v62  }
0x1d1: {  	s0 =	sshrl.u32 s0, $0x3;
	[tilespmem:s3+$0x10] =	vst v8  }
0x1d2: {  	s0 =	sadd.s32 s6, s0;
	[tilespmem:s3+$0x20] =	vst v63  }
0x1d3: {  	[hbm4b:s0+s9] =	stream.linear.scatter [tilespmem:s15], [sflag:$0x4], $0xA00, $0x38;
	[tilespmem:$0x1F680] =	vst v63  }
.Ltmp17:
0x1d4: {  	(pc) =	sbr.rel .LBB2_25-.Ltmp17, $4  }
0x1d5: {  	_ = 	snop  }
0x1d6: {  	_ =	swait.ge [sflag:s31], $0xA00  }
0x1d7: {  	[sflag:s31] =	ssyncset.done $0x0  }
0x1d8: {  	[sflag:s31] =	ssyncadd.s32 $0xFFFFF600  }
.LBB2_24:
0x1d9: {  	s0 =	smul.u32 $0x5000, s19;
	_ =	sdelay $0x1  }
0x1da: {  	s0 =	sshra.s32 s0, $0x2  }
0x1db: {  	s0 =	sadd.s32 s0, s7  }
.Ltmp18:
0x1dc: {  	s0 =	sadd.s32 $0x1400, s0;
	(pc) =	sbr.rel @p0 .LBB2_26-.Ltmp18, $4  }
0x1dd: {  	[tilespmem:s13], [sflag:$0x2] =	stream.linear.gather [spmem:s0], $0xA00, $0x38;
	[tilespmem:$0x1F680] =	vst v63  }
0x1de: {  	_ =	swait.ge [sflag:s31], $0xA00  }
0x1df: {  	[sflag:s31] =	ssyncset.done $0x0  }
0x1e0: {  	[sflag:s31] =	ssyncadd.s32 $0xFFFFF600  }
.LBB2_25:
0x1e1: {  	_ =	swait.ge [sflag:s16], $0xA00  }
0x1e2: {  	[sflag:s16] =	ssyncset.done $0x0  }
0x1e3: {  	[sflag:s16] =	ssyncadd.s32 $0xFFFFF600  }
.LBB2_26:
0x1e4: {  	s0 =	simm.s32 $0x1BC40  }
0x1e5: {  	v8 =	vld [tilespmem:s0+$0x30]  }
0x1e6: {  	v9 =	vld [tilespmem:s0+$0xFFFFFFD0]  }
0x1e7: {  	v11 =	vld [tilespmem:s0+$0xFFFFFFF0]  }
0x1e8: {  	v13 =	vld [tilespmem:s0+$0x10]  }
0x1e9: {  	v15 =	vld [tilespmem:s0+$0x20]  }
0x1ea: {  	v17 =	vld [tilespmem:s0+$0xFFFFFFC0];
	_ =	sdelay $0x1  }
0x1eb: {  	v10 =	vld [tilespmem:s0+$0xFFFFFFE0]  }
0x1ec: {  	v12 =	vld [tilespmem:s0+$0x0];
	v14 =	vshll.u32 v8, $0x3;
	v16 =	vshrl.u32 v8, $0x1;
	v8 =	vand.u32 $0xFFFFF87F, v8  }
0x1ed: {  	v18 =	vshll.u32 v9, $0x3;
	v19 =	vshll.u32 v11, $0x3;
	v20 =	vshll.u32 v13, $0x3  }
0x1ee: {  	v21 =	vshrl.u32 v9, $0x1;
	v22 =	vshll.u32 v15, $0x3;
	v23 =	vshll.u32 v17, $0x3  }
0x1ef: {  	v24 =	vshrl.u32 v17, $0x1;
	v17 =	vand.u32 $0xFFFFF87F, v17;
	v9 =	vand.u32 $0xFFFFF87F, v9  }
0x1f0: {  	v25 =	vshrl.u32 v10, $0x1;
	v26 =	vshrl.u32 v11, $0x1;
	v11 =	vand.u32 $0xFFFFF87F, v11  }
0x1f1: {  	v27 =	vshrl.u32 v12, $0x1;
	v28 =	vshrl.u32 v13, $0x1;
	v13 =	vand.u32 $0xFFFFF87F, v13  }
0x1f2: {  	v29 =	vshrl.u32 v15, $0x1;
	v15 =	vand.u32 $0xFFFFF87F, v15;
	v14 =	vand.u32 $0x400, v14  }
0x1f3: {  	v16 =	vand.u32 $0x380, v16;
	v19 =	vand.u32 $0x400, v19;
	v20 =	vand.u32 $0x400, v20  }
0x1f4: {  	v22 =	vand.u32 $0x400, v22;
	v23 =	vand.u32 $0x400, v23;
	v8 =	vor.u32 v14, v8  }
0x1f5: {  	v14 =	vshll.u32 v10, $0x3;
	v10 =	vand.u32 $0xFFFFF87F, v10;
	v17 =	vor.u32 v23, v17  }
0x1f6: {  	v11 =	vor.u32 v19, v11;
	v13 =	vor.u32 v20, v13;
	v15 =	vor.u32 v22, v15  }
0x1f7: {  	s8 =	simm.s32 $0x1BCC0;
	v19 =	vand.u32 $0x380, v21;
	v20 =	vand.u32 $0x380, v25;
	v21 =	vand.u32 $0x380, v26  }
0x1f8: {  	v22 =	vld [tilespmem:s8+$0xFFFFFFE0];
	v23 =	vand.u32 $0x380, v27;
	v25 =	vand.u32 $0x380, v29;
	v8 =	vor.u32 v16, v8  }
0x1f9: {  	v26 =	vld [tilespmem:s8+$0xFFFFFFF0];
	v16 =	vand.u32 $0x400, v18;
	v14 =	vand.u32 $0x400, v14;
	v18 =	vshll.u32 v12, $0x3  }
0x1fa: {  	v12 =	vand.u32 $0xFFFFF87F, v12;
	v11 =	vor.u32 v21, v11;
	v10 =	vor.u32 v14, v10;
	v14 =	vld [tilespmem:s8+$0x30]  }
0x1fb: {  	v18 =	vand.u32 $0x400, v18;
	v9 =	vor.u32 v16, v9;
	v16 =	vand.u32 $0x380, v24  }
0x1fc: {  	v24 =	vand.u32 $0x380, v28;
	v12 =	vor.u32 v18, v12;
	v18 =	vld [tilespmem:s8+$0xFFFFFFD0];
	v16 =	vor.u32 v16, v17  }
0x1fd: {  	v9 =	vor.u32 v19, v9;
	v10 =	vor.u32 v20, v10;
	v20 =	vor.u32 v24, v13;
	v17 =	vld [tilespmem:s8+$0xFFFFFFC0]  }
0x1fe: {  	v21 =	vld [tilespmem:s8+$0x10];
	v12 =	vor.u32 v23, v12;
	v23 =	vor.u32 v25, v15;
	v27 =	vshll.u32 v26, $0x3  }
0x1ff: {  	v19 =	vld [tilespmem:s8+$0x0];
	v39 =	vand.u32 $0xFFFFF87F, v22;
	v62 =	vand.u32 $0xFFFFF87F, v26;
	v13 =	vshll.u32 v14, $0x3  }
0x200: {  	v25 =	vld [tilespmem:s8+$0x20];
	v15 =	vshrl.u32 v14, $0x1;
	v14 =	vand.u32 $0xFFFFF87F, v14;
	v13 =	vand.u32 $0x400, v13  }
0x201: {  	v27 =	vand.u32 $0x400, v27;
	v34 =	vld.idx.msk [tilespmem:v11+s24+$0x0], $0xffff;
	v15 =	vand.u32 $0x380, v15;
	v13 =	vor.u32 v13, v14  }
0x202: {  	v24 =	vshll.u32 v18, $0x3;
	v61 =	vld.idx.msk [tilespmem:v16+s24+$0x0], $0xffff;
	v11 =	vshll.u32 v17, $0x3;
	v60 =	vor.u32 v15, v13  }
0x203: {  	v33 =	vld.idx.msk [tilespmem:v10+s24+$0x0], $0xffff;
	v37 =	vand.u32 $0xFFFFF87F, v17;
	v38 =	vand.u32 $0xFFFFF87F, v18;
	v16 =	vshrl.u32 v26, $0x1  }
0x204: {  	v63 =	vand.u32 $0xFFFFF87F, v19;
	v14 =	vld.idx.msk [tilespmem:v8+s24+$0x0], $0xffff;
	v8 =	vshll.u32 v22, $0x3;
	v30 =	vand.u32 $0x400, v24  }
0x205: {  	s1 =	simm.s32 $0x1D040;
	v24 =	vld.idx.msk [tilespmem:v9+s24+$0x0], $0xffff;
	v9 =	vshrl.u32 v18, $0x1;
	v10 =	vshll.u32 v25, $0x3;
	v36 =	vand.u32 $0x400, v11  }
0x206: {  	v35 =	vld.idx.msk [tilespmem:v12+s24+$0x0], $0xffff;
	v18 =	vshrl.u32 v21, $0x1;
	v26 =	vand.u32 $0xFFFFF87F, v25;
	v31 =	vand.u32 $0x400, v8;
	[tilespmem:s1+$0xFFFFFFF0] =	vst v34  }
0x207: {  	v8 =	vshll.u32 v19, $0x3;
	v13 =	vshrl.u32 v17, $0x1;
	v10 =	vand.u32 $0x400, v10;
	[tilespmem:s1+$0xFFFFFFC0] =	vst v61;
	v11 =	vld.idx.msk [tilespmem:v60+s24+$0x0], $0xffff  }
0x208: {  	v12 =	vld.idx.msk [tilespmem:v20+s24+$0x0], $0xffff;
	v15 =	vshrl.u32 v22, $0x1;
	v17 =	vshrl.u32 v19, $0x1;
	v19 =	vshrl.u32 v25, $0x1;
	[tilespmem:s1+$0xFFFFFFE0] =	vst v33  }
0x209: {  	v22 =	vor.u32 v36, v37;
	v32 =	vand.u32 $0x400, v8;
	v8 =	vshll.u32 v21, $0x3;
	[tilespmem:s1+$0x30] =	vst v14;
	v14 =	vld.idx.msk [tilespmem:v23+s24+$0x0], $0xffff  }
0x20a: {  	v20 =	vor.u32 v30, v38;
	v25 =	vor.u32 v31, v39;
	v8 =	vand.u32 $0x400, v8;
	[tilespmem:s1+$0xFFFFFFD0] =	vst v24  }
0x20b: {  	s2 =	simm.s32 $0x1BD40;
	s3 =	simm.s32 $0x1D0C0;
	s0 =	simm.s32 $0x80;
	v24 =	vand.u32 $0xFFFFF87F, v21;
	v23 =	vor.u32 v27, v62;
	v21 =	vor.u32 v32, v63;
	[tilespmem:s1+$0x0] =	vst v35  }
.LBB2_27:
0x20c: {  	v27 =	vld [tilespmem:s2+$0x30];
	s0 =	sadd.s32 $0x80, s0;
	v13 =	vand.u32 $0x380, v13;
	v8 =	vor.u32 v8, v24;
	v10 =	vor.u32 v10, v26;
	[tilespmem:s3+$0x30] =	vst v11  }
0x20d: {  	v9 =	vand.u32 $0x380, v9;
	v15 =	vand.u32 $0x380, v15;
	v16 =	vand.u32 $0x380, v16;
	v11 =	vld [tilespmem:s2+$0xFFFFFFD0];
	p0 =	slt.u32 s0, $0x980;
	[tilespmem:s1+$0x10] =	vst v12  }
0x20e: {  	v17 =	vand.u32 $0x380, v17;
	v18 =	vand.u32 $0x380, v18;
	v19 =	vand.u32 $0x380, v19;
	v12 =	vld [tilespmem:s2+$0xFFFFFFE0];
	[tilespmem:s1+$0x20] =	vst v14;
	s1 =	smov.u32 s3  }
0x20f: {  	v13 =	vor.u32 v13, v22;
	v9 =	vor.u32 v9, v20;
	v15 =	vor.u32 v15, v25;
	v14 =	vld [tilespmem:s2+$0xFFFFFFF0]  }
0x210: {  	v16 =	vor.u32 v16, v23;
	v17 =	vor.u32 v17, v21;
	v18 =	vor.u32 v18, v8;
	v20 =	vld [tilespmem:s2+$0x0]  }
0x211: {  	v19 =	vor.u32 v19, v10;
	v21 =	vld [tilespmem:s2+$0x10];
	v8 =	vshll.u32 v27, $0x3  }
0x212: {  	v10 =	vshrl.u32 v27, $0x1;
	v22 =	vand.u32 $0xFFFFF87F, v27;
	v23 =	vld [tilespmem:s2+$0x20];
	v8 =	vand.u32 $0x400, v8  }
0x213: {  	v25 =	vshll.u32 v11, $0x3;
	v10 =	vand.u32 $0x380, v10;
	v24 =	vld [tilespmem:s2+$0xFFFFFFC0];
	v8 =	vor.u32 v8, v22  }
0x214: {  	v22 =	vshll.u32 v12, $0x3;
	v26 =	vshll.u32 v14, $0x3;
	v27 =	vor.u32 v10, v8;
	v28 =	vld.idx.msk [tilespmem:v13+s24+$0x0], $0xffff  }
0x215: {  	v25 =	vand.u32 $0x400, v25;
	v29 =	vand.u32 $0x400, v22;
	v8 =	vshll.u32 v20, $0x3;
	v22 =	vld.idx.msk [tilespmem:v9+s24+$0x0], $0xffff  }
0x216: {  	v30 =	vand.u32 $0x400, v26;
	v31 =	vand.u32 $0x400, v8;
	v8 =	vshll.u32 v21, $0x3;
	v26 =	vld.idx.msk [tilespmem:v15+s24+$0x0], $0xffff  }
0x217: {  	v9 =	vshrl.u32 v11, $0x1;
	v8 =	vand.u32 $0x400, v8;
	v10 =	vshll.u32 v23, $0x3;
	v32 =	vld.idx.msk [tilespmem:v16+s24+$0x0], $0xffff  }
0x218: {  	v15 =	vshll.u32 v24, $0x3;
	v13 =	vshrl.u32 v24, $0x1;
	v10 =	vand.u32 $0x400, v10;
	v33 =	vld.idx.msk [tilespmem:v17+s24+$0x0], $0xffff  }
0x219: {  	v36 =	vand.u32 $0xFFFFF87F, v11;
	v35 =	vand.u32 $0xFFFFF87F, v24;
	v34 =	vand.u32 $0x400, v15;
	v11 =	vld.idx.msk [tilespmem:v27+s24+$0x0], $0xffff  }
.Ltmp19:
0x21a: {  	v16 =	vshrl.u32 v14, $0x1;
	v15 =	vshrl.u32 v12, $0x1;
	v27 =	vand.u32 $0xFFFFF87F, v12;
	[tilespmem:s3+$0xFFFFFFC0] =	vst v28;
	v12 =	vld.idx.msk [tilespmem:v18+s24+$0x0], $0xffff;
	(pc) =	sbr.rel @p0 .LBB2_27-.Ltmp19, $4  }
0x21b: {  	v37 =	vand.u32 $0xFFFFF87F, v20;
	v17 =	vshrl.u32 v20, $0x1;
	v28 =	vand.u32 $0xFFFFF87F, v14;
	[tilespmem:s3+$0xFFFFFFD0] =	vst v22;
	v14 =	vld.idx.msk [tilespmem:v19+s24+$0x0], $0xffff  }
0x21c: {  	v24 =	vand.u32 $0xFFFFF87F, v21;
	v18 =	vshrl.u32 v21, $0x1;
	v19 =	vshrl.u32 v23, $0x1;
	[tilespmem:s3+$0xFFFFFFE0] =	vst v26  }
0x21d: {  	v20 =	vor.u32 v25, v36;
	v22 =	vor.u32 v34, v35;
	v26 =	vand.u32 $0xFFFFF87F, v23;
	[tilespmem:s3+$0xFFFFFFF0] =	vst v32  }
0x21e: {  	s2 =	sadd.s32 $0x80, s2;
	v25 =	vor.u32 v29, v27;
	v21 =	vor.u32 v31, v37;
	v23 =	vor.u32 v30, v28;
	s3 =	sadd.s32 $0x80, s3;
	[tilespmem:s1+$0x0] =	vst v33  }
0x21f: {  	v13 =	vand.u32 $0x380, v13  }
0x220: {  	v9 =	vand.u32 $0x380, v9;
	v13 =	vor.u32 v13, v22  }
0x221: {  	v15 =	vand.u32 $0x380, v15;
	v9 =	vor.u32 v9, v20  }
0x222: {  	v16 =	vand.u32 $0x380, v16;
	v15 =	vor.u32 v15, v25  }
0x223: {  	v17 =	vand.u32 $0x380, v17;
	v16 =	vor.u32 v16, v23  }
0x224: {  	v8 =	vor.u32 v8, v24;
	v18 =	vand.u32 $0x380, v18;
	v17 =	vor.u32 v17, v21  }
0x225: {  	v10 =	vor.u32 v10, v26;
	v19 =	vand.u32 $0x380, v19;
	v8 =	vor.u32 v18, v8;
	v13 =	vld.idx.msk [tilespmem:v13+s24+$0x0], $0xffff  }
0x226: {  	v10 =	vor.u32 v19, v10;
	v9 =	vld.idx.msk [tilespmem:v9+s24+$0x0], $0xffff  }
0x227: {  	[tilespmem:s3+$0x30] =	vst v11;
	v60 =	vld.idx.msk [tilespmem:v15+s24+$0x0], $0xffff  }
0x228: {  	[tilespmem:s1+$0x10] =	vst v12;
	v61 =	vld.idx.msk [tilespmem:v16+s24+$0x0], $0xffff  }
0x229: {  	[tilespmem:s1+$0x20] =	vst v14;
	v62 =	vld.idx.msk [tilespmem:v17+s24+$0x0], $0xffff  }
0x22a: {  	v8 =	vld.idx.msk [tilespmem:v8+s24+$0x0], $0xffff;
	[tilespmem:s3+$0xFFFFFFC0] =	vst v13  }
0x22b: {  	v63 =	vld.idx.msk [tilespmem:v10+s24+$0x0], $0xffff;
	[tilespmem:s3+$0xFFFFFFD0] =	vst v9  }
0x22c: {  	p0 =	seq.s32 s19, $0x27;
	[tilespmem:s3+$0xFFFFFFE0] =	vst v60  }
.Ltmp20:
0x22d: {  	[tilespmem:s3+$0xFFFFFFF0] =	vst v61;
	(pc) =	sbr.rel @p0 .LBB2_30-.Ltmp20, $4  }
0x22e: {  	s0 =	sadd.s32 s21, s12;
	[tilespmem:s3+$0x0] =	vst v62  }
0x22f: {  	s0 =	sshrl.u32 s0, $0x3;
	[tilespmem:s3+$0x10] =	vst v8  }
0x230: {  	s0 =	sadd.s32 s6, s0;
	[tilespmem:s3+$0x20] =	vst v63  }
0x231: {  	[hbm4b:s0+s9] =	stream.linear.scatter [tilespmem:s17], [sflag:$0x5], $0xA00, $0x38;
	[tilespmem:$0x1F680] =	vst v63  }
0x232: {  	s0 =	smul.u32 $0x5000, s19  }
.Ltmp21:
0x233: {  	_ = 	snop;
	(pc) =	sbr.rel .LBB2_20-.Ltmp21, $4  }
0x234: {  	s0 =	sshra.s32 s0, $0x2  }
0x235: {  	s0 =	sadd.s32 s0, s7  }
0x236: {  	s19 =	sadd.s32 $0x1, s19;
	s0 =	sadd.s32 $0x1E00, s0  }
0x237: {  	[tilespmem:s14], [sflag:$0x3] =	stream.linear.gather [spmem:s0], $0xA00, $0x38;
	[tilespmem:$0x1F680] =	vst v63  }
.LBB2_32:
0x238: {  	_ =	sfence.sel $0x180000  }
0x239: {  	[bflag:$0x0] =	sbarrier.arrive $0xFFFF  }
0x23a: {  	_ =	strace $0x90000047  }
0x23b: {  	[bflag:$0x2] =	sbarrier.arrive $0xFFFF  }
0x23c: {  	p0 =	sne.s32 s10, $0x0;
	s0 =	rddreg [dreg:$0x6]  }
0x23d: {  	s0 =	sadd.s32 @!p0 $0x100000, s0  }
0x23e: {  	[sflag:s0] =	ssyncadd.tile.s32 @!p0 $0x1;
	_ =	shalt  }
.Lfunc_end2:
_tile_overlayer_lowered:
.L_overlay_start_2:
0x23f: {  	(tag) =	ssettag $0x2  }
0x240: {  	s0 =	rddreg [dreg:$0x0];
	s2 =	stileid.u32  }
0x241: {  	s1 =	rddreg [dreg:$0x1];
	p0 =	sne.s32 s2, $0x0  }
0x242: {  	s3 =	rddreg [dreg:$0x2];
	[bflag:$0x3] =	sbarrier.arrive $0xFFFF;
	s2 =	simm.s32 @!p0 $0x1C06  }
0x243: {  	[timem:s3], [sflag:s2] =	dma.local @!p0 [hbm:s0], s1  }
0x244: {  	s0 =	simm.s32 @!p0 $0x6  }
0x245: {  	_ =	swait.ge @!p0 [sflag:s0], s1  }
0x246: {  	s1 =	ssub.s32 @!p0 $0x0, s1;
	[sflag:s0] =	ssyncset.done @!p0 $0x0  }
0x247: {  	[sflag:s0] =	ssyncadd.s32 @!p0 s1  }
0x248: {  	[bflag:$0x3] =	sbarrier.arrive $0xFFFF  }
0x249: {  	_ =	shalt  }

</sc_bundles>
